<compile_context>
chip_gen: v7x
topology: tpu7x:2x2x1
jax: 0.10.2.dev20260603
libtpu: 0.0.44.dev20260713+nightly
codegen_flags: <defaults>
</compile_context>

<pallas_src>
import functools

import jax
import jax.numpy as jnp
from jax import lax
from jax.experimental import pallas as pl
from jax.experimental.pallas import tpu as pltpu
from jax.experimental.pallas import tpu_sc as plsc

VOCAB = 100000
EMBED = 32
BATCH = 1024
CTX = 20

TV = 2048
NV = (VOCAB + TV - 1) // TV

IDX_CHUNK = 128


def _make_context_sum():
    info = plsc.get_sparse_core_info()
    nw = info.num_cores * info.num_subcores
    nb = BATCH // nw
    nidx = nb * CTX
    nchunk = nidx // IDX_CHUNK

    mesh = plsc.VectorSubcoreMesh(core_axis_name="c", subcore_axis_name="s")

    @functools.partial(
        pl.kernel,
        mesh=mesh,
        out_type=jax.ShapeDtypeStruct((BATCH, EMBED), jnp.float32),
        scratch_types=[
            pltpu.VMEM((nchunk, IDX_CHUNK), jnp.int32),
            pltpu.VMEM((nidx, EMBED), jnp.float32),
            pltpu.VMEM((nb, EMBED), jnp.float32),
            pltpu.SemaphoreType.DMA,
        ],
        compiler_params=pltpu.CompilerParams(use_tc_tiling_on_sc=False),
    )
    def context_sum(table_hbm, idx_hbm, out_hbm, idx_v, rows_v, out_v, sem):
        wid = lax.axis_index("s") * info.num_cores + lax.axis_index("c")
        pltpu.sync_copy(idx_hbm.at[wid], idx_v)
        copies = []
        for j in range(nchunk):
            copies.append(
                pltpu.async_copy(
                    table_hbm.at[idx_v.at[j]],
                    rows_v.at[pl.ds(j * IDX_CHUNK, IDX_CHUNK)],
                    sem,
                )
            )
        for c in copies:
            c.wait()

        def body(bi, carry):
            r0 = bi * CTX
            a0 = rows_v[r0, pl.ds(0, 16)]
            a1 = rows_v[r0, pl.ds(16, 16)]
            for j in range(1, CTX):
                a0 = a0 + rows_v[r0 + j, pl.ds(0, 16)]
                a1 = a1 + rows_v[r0 + j, pl.ds(16, 16)]
            out_v[bi, pl.ds(0, 16)] = a0
            out_v[bi, pl.ds(16, 16)] = a1
            return carry

        lax.fori_loop(0, nb, body, 0)
        pltpu.sync_copy(out_v, out_hbm.at[pl.ds(wid * nb, nb)])

    return context_sum, nw, nchunk


_LOG2E = 1.4426950408889634


def _fused_body(x_ref, wt_ref, b_ref, o_ref, m_ref, s_ref, d_ref):
    j = pl.program_id(0)

    @pl.when(j < NV)
    def _():
        x2 = x_ref[...] * jnp.float32(_LOG2E)
        b2 = b_ref[...] * jnp.float32(_LOG2E)
        TVC = TV // 4
        lgs = []
        for c in range(4):
            lg_c = lax.dot_general(
                x2, wt_ref[:, pl.ds(c * TVC, TVC)],
                (((1,), (0,)), ((), ())),
                preferred_element_type=jnp.float32,
            )
            lgs.append(lg_c + b2[c * TVC:(c + 1) * TVC][None, :])

        @pl.when(j == 0)
        def _():
            m_ref[...] = jnp.max(lgs[0], axis=1, keepdims=True)
            s_ref[...] = jnp.zeros((BATCH, 1), jnp.float32)

        m0 = m_ref[...]
        t = jnp.zeros((BATCH, 1), jnp.float32)
        for c in range(4):
            p_c = jnp.exp2(lgs[c] - m0)
            if c == 3:
                col = j * TV + c * TVC + lax.broadcasted_iota(
                    jnp.int32, (BATCH, TVC), 1
                )
                p_c = jnp.where(col < VOCAB, p_c, jnp.float32(0.0))
            t = t + jnp.sum(p_c, axis=1, keepdims=True)
        s_new = s_ref[...] + t
        s_ref[...] = s_new

        @pl.when(j == NV - 1)
        def _():
            d_col = (m0 + jnp.log2(s_new)) * jnp.float32(1.0 / _LOG2E)
            d_ref[...] = jnp.transpose(d_col)

    @pl.when(j >= NV)
    def _():
        lt = lax.dot_general(
            wt_ref[...], x_ref[...],
            (((0,), (1,)), ((), ())),
            preferred_element_type=jnp.float32,
        )
        o_ref[...] = lt + b_ref[...][:, None] - d_ref[...]


def kernel(inputs, emb_table, W, b):
    context_sum, nw, nchunk = _make_context_sum()
    idx3 = inputs.reshape(nw, nchunk, IDX_CHUNK)
    x = context_sum(emb_table, idx3)
    Wt = W.T

    out_t = pl.pallas_call(
        _fused_body,
        grid=(2 * NV,),
        in_specs=[
            pl.BlockSpec((BATCH, EMBED), lambda j: (0, 0)),
            pl.BlockSpec((EMBED, TV), lambda j: (0, lax.rem(j, NV))),
            pl.BlockSpec((TV,), lambda j: (lax.rem(j, NV),)),
        ],
        out_specs=pl.BlockSpec(
            (TV, BATCH), lambda j: (jnp.maximum(j - NV, 0), 0)
        ),
        out_shape=jax.ShapeDtypeStruct((VOCAB, BATCH), jnp.float32),
        scratch_shapes=[
            pltpu.VMEM((BATCH, 1), jnp.float32),
            pltpu.VMEM((BATCH, 1), jnp.float32),
            pltpu.VMEM((1, BATCH), jnp.float32),
        ],
        compiler_params=pltpu.CompilerParams(
            dimension_semantics=("arbitrary",),
        ),
    )(x, Wt, b)

    return out_t.T

# --- scband reference (transcript-rebuilt; emitter-appended) ---
"""Pipeline reference for scband-simple-cbow-7473243095256 (READ-ONLY COPY).

The authoritative reference and input builder live on the scoring server;
editing this copy changes nothing except your own understanding.
"""

import jax, jax.numpy as jnp
import numpy as np

VOCAB = 100000
EMBED = 32
BATCH = 1024
CTX = 20

def setup_inputs(seed: int = 0) -> dict:
    key = jax.random.key(seed)
    k1, k2, k3, k4 = jax.random.split(key, 4)
    inputs = jax.random.randint(k1, (BATCH, CTX), 0, VOCAB, dtype=jnp.int64 if jax.config.jax_enable_x64 else jnp.int32).astype(jnp.int32)
    emb_table = jax.random.normal(k2, (VOCAB, EMBED), dtype=jnp.float32)
    W = jax.random.normal(k3, (VOCAB, EMBED), dtype=jnp.float32) * (1.0 / np.sqrt(EMBED))
    b = jnp.zeros((VOCAB,), dtype=jnp.float32)
    return {"inputs": inputs, "emb_table": emb_table, "W": W, "b": b}

def reference(inputs, emb_table, W, b):
    # embeds = self.embeddings(inputs)  -> gather rows
    embeds = jnp.take(emb_table, inputs, axis=0)          # [B, CTX, EMBED]
    # out = torch.sum(embeds, dim=1)
    out = jnp.sum(embeds, axis=1)                          # [B, EMBED]
    # out = self.linear1(out)  (torch Linear: x @ W.T + b)
    out = out @ W.T + b                                    # [B, VOCAB]
    # log_probs = F.log_softmax(out, dim=1)
    log_probs = jax.nn.log_softmax(out, axis=1)
    return log_probs

if __name__ == "__main__":
    import jax
    _d = setup_inputs()
    print(jax.jit(kernel)(*tuple(_d.values())))

</pallas_src>

<mosaic_0001>
#map = affine_map<(d0, d1) -> (0, 0)>
#map1 = affine_map<(d0, d1) -> (0, 0, 0)>
module attributes {stable_mosaic.version = 14 : i64} {
  func.func @context_sum(%arg0: i32, %arg1: i32, %arg2: memref<100000x32xf32, #tpu.memory_space<hbm>>, %arg3: memref<32x5x128xi32, #tpu.memory_space<hbm>>, %arg4: memref<1024x32xf32, #tpu.memory_space<hbm>>, %arg5: memref<5x128xi32, #tpu.memory_space<vmem>>, %arg6: memref<640x32xf32, #tpu.memory_space<vmem>>, %arg7: memref<32x32xf32, #tpu.memory_space<vmem>>, %arg8: memref<!tpu.dma_semaphore, #tpu.memory_space<semaphore_mem>>) attributes {dimension_semantics = [#tpu.dimension_semantics<core_parallel>, #tpu.dimension_semantics<subcore_parallel>], iteration_bounds = array<i64: 2, 16>, scalar_prefetch = 0 : i64, scratch_operands = 4 : i64, tpu.core_type = #tpu.core_type<sc_vector_subcore>, window_params = [{transform_indices = #map}, {transform_indices = #map1}, {transform_indices = #map}]} {
    %mul3A = arith.constant 2 : i32
    %mul3A_0 = arith.muli %arg1, %mul3A : i32
    %add3A = arith.addi %mul3A_0, %arg0 : i32
    "tpu.region"() ({
      %run_scoped3A = tpu.sem_alloc : memref<!tpu.dma_semaphore, #tpu.memory_space<semaphore_mem>>
      %dma_start3A_106 = arith.constant 0 : i32
      %dma_start3A_107 = arith.constant 0 : i32
      %dma_start3A_108 = tpu.memref_slice %arg3[%add3A, %dma_start3A_106, %dma_start3A_107] : memref<32x5x128xi32, #tpu.memory_space<hbm>> -> memref<1x5x128xi32, #tpu.memory_space<hbm>>
      %dma_start3A_109 = tpu.memref_squeeze %dma_start3A_108 : memref<1x5x128xi32, #tpu.memory_space<hbm>> -> memref<5x128xi32, #tpu.memory_space<hbm>>
      %dma_start3A_110 = arith.constant 0 : i32
      %dma_start3A_111 = arith.constant 0 : i32
      %dma_start3A_112 = tpu.memref_slice %arg3[%add3A, %dma_start3A_110, %dma_start3A_111] : memref<32x5x128xi32, #tpu.memory_space<hbm>> -> memref<1x5x128xi32, #tpu.memory_space<hbm>>
      %dma_start3A_113 = tpu.memref_squeeze %dma_start3A_112 : memref<1x5x128xi32, #tpu.memory_space<hbm>> -> memref<5x128xi32, #tpu.memory_space<hbm>>
      tpu.enqueue_dma source(%dma_start3A_113 : memref<5x128xi32, #tpu.memory_space<hbm>>) target(%arg5 : memref<5x128xi32, #tpu.memory_space<vmem>>) target_semaphore(%run_scoped3A : memref<!tpu.dma_semaphore, #tpu.memory_space<semaphore_mem>>)
      %dma_wait3A_114 = arith.constant 0 : i32
      %dma_wait3A_115 = arith.constant 0 : i32
      %dma_wait3A_116 = tpu.memref_slice %arg3[%add3A, %dma_wait3A_114, %dma_wait3A_115] : memref<32x5x128xi32, #tpu.memory_space<hbm>> -> memref<1x5x128xi32, #tpu.memory_space<hbm>>
      %dma_wait3A_117 = tpu.memref_squeeze %dma_wait3A_116 : memref<1x5x128xi32, #tpu.memory_space<hbm>> -> memref<5x128xi32, #tpu.memory_space<hbm>>
      %dma_wait3A_118 = arith.constant 0 : i32
      %dma_wait3A_119 = arith.constant 0 : i32
      %dma_wait3A_120 = tpu.memref_slice %arg3[%add3A, %dma_wait3A_118, %dma_wait3A_119] : memref<32x5x128xi32, #tpu.memory_space<hbm>> -> memref<1x5x128xi32, #tpu.memory_space<hbm>>
      %dma_wait3A_121 = tpu.memref_squeeze %dma_wait3A_120 : memref<1x5x128xi32, #tpu.memory_space<hbm>> -> memref<5x128xi32, #tpu.memory_space<hbm>>
      tpu.wait_dma2 semaphore(%run_scoped3A : memref<!tpu.dma_semaphore, #tpu.memory_space<semaphore_mem>>) src(%dma_wait3A_121 : memref<5x128xi32, #tpu.memory_space<hbm>>) dst(%arg5 : memref<5x128xi32, #tpu.memory_space<vmem>>)
      tpu.yield
    }) : () -> ()
    %dma_start3A = arith.constant 0 : i32
    %dma_start3A_1 = arith.constant 0 : i32
    %dma_start3A_2 = arith.constant 0 : i32
    %dma_start3A_3 = tpu.memref_slice %arg6[%dma_start3A_1, %dma_start3A_2] : memref<640x32xf32, #tpu.memory_space<vmem>> -> memref<128x32xf32, #tpu.memory_space<vmem>>
    %dma_start3A_4 = arith.constant 0 : i32
    %dma_start3A_5 = tpu.memref_slice %arg5[%dma_start3A, %dma_start3A_4] : memref<5x128xi32, #tpu.memory_space<vmem>> -> memref<1x128xi32, #tpu.memory_space<vmem>>
    %dma_start3A_6 = tpu.memref_squeeze %dma_start3A_5 : memref<1x128xi32, #tpu.memory_space<vmem>> -> memref<128xi32, #tpu.memory_space<vmem>>
    %dma_start3A_7 = arith.constant 0 : i32
    %dma_start3A_8 = arith.constant 0 : i32
    %dma_start3A_9 = tpu.memref_slice %arg2[%dma_start3A_7, %dma_start3A_8] : memref<100000x32xf32, #tpu.memory_space<hbm>> -> memref<100000x32xf32, #tpu.memory_space<hbm>>
    tpu.enqueue_indirect_dma source(%dma_start3A_9 : memref<100000x32xf32, #tpu.memory_space<hbm>>) target(%dma_start3A_3 : memref<128x32xf32, #tpu.memory_space<vmem>>) offsets(%dma_start3A_6 : memref<128xi32, #tpu.memory_space<vmem>>) semaphore(%arg8 : memref<!tpu.dma_semaphore, #tpu.memory_space<semaphore_mem>>)
    %dma_start3A_10 = arith.constant 1 : i32
    %dma_start3A_11 = arith.constant 128 : i32
    %dma_start3A_12 = arith.constant 0 : i32
    %dma_start3A_13 = tpu.memref_slice %arg6[%dma_start3A_11, %dma_start3A_12] : memref<640x32xf32, #tpu.memory_space<vmem>> -> memref<128x32xf32, #tpu.memory_space<vmem>>
    %dma_start3A_14 = arith.constant 0 : i32
    %dma_start3A_15 = tpu.memref_slice %arg5[%dma_start3A_10, %dma_start3A_14] : memref<5x128xi32, #tpu.memory_space<vmem>> -> memref<1x128xi32, #tpu.memory_space<vmem>>
    %dma_start3A_16 = tpu.memref_squeeze %dma_start3A_15 : memref<1x128xi32, #tpu.memory_space<vmem>> -> memref<128xi32, #tpu.memory_space<vmem>>
    %dma_start3A_17 = arith.constant 0 : i32
    %dma_start3A_18 = arith.constant 0 : i32
    %dma_start3A_19 = tpu.memref_slice %arg2[%dma_start3A_17, %dma_start3A_18] : memref<100000x32xf32, #tpu.memory_space<hbm>> -> memref<100000x32xf32, #tpu.memory_space<hbm>>
    tpu.enqueue_indirect_dma source(%dma_start3A_19 : memref<100000x32xf32, #tpu.memory_space<hbm>>) target(%dma_start3A_13 : memref<128x32xf32, #tpu.memory_space<vmem>>) offsets(%dma_start3A_16 : memref<128xi32, #tpu.memory_space<vmem>>) semaphore(%arg8 : memref<!tpu.dma_semaphore, #tpu.memory_space<semaphore_mem>>)
    %dma_start3A_20 = arith.constant 2 : i32
    %dma_start3A_21 = arith.constant 256 : i32
    %dma_start3A_22 = arith.constant 0 : i32
    %dma_start3A_23 = tpu.memref_slice %arg6[%dma_start3A_21, %dma_start3A_22] : memref<640x32xf32, #tpu.memory_space<vmem>> -> memref<128x32xf32, #tpu.memory_space<vmem>>
    %dma_start3A_24 = arith.constant 0 : i32
    %dma_start3A_25 = tpu.memref_slice %arg5[%dma_start3A_20, %dma_start3A_24] : memref<5x128xi32, #tpu.memory_space<vmem>> -> memref<1x128xi32, #tpu.memory_space<vmem>>
    %dma_start3A_26 = tpu.memref_squeeze %dma_start3A_25 : memref<1x128xi32, #tpu.memory_space<vmem>> -> memref<128xi32, #tpu.memory_space<vmem>>
    %dma_start3A_27 = arith.constant 0 : i32
    %dma_start3A_28 = arith.constant 0 : i32
    %dma_start3A_29 = tpu.memref_slice %arg2[%dma_start3A_27, %dma_start3A_28] : memref<100000x32xf32, #tpu.memory_space<hbm>> -> memref<100000x32xf32, #tpu.memory_space<hbm>>
    tpu.enqueue_indirect_dma source(%dma_start3A_29 : memref<100000x32xf32, #tpu.memory_space<hbm>>) target(%dma_start3A_23 : memref<128x32xf32, #tpu.memory_space<vmem>>) offsets(%dma_start3A_26 : memref<128xi32, #tpu.memory_space<vmem>>) semaphore(%arg8 : memref<!tpu.dma_semaphore, #tpu.memory_space<semaphore_mem>>)
    %dma_start3A_30 = arith.constant 3 : i32
    %dma_start3A_31 = arith.constant 384 : i32
    %dma_start3A_32 = arith.constant 0 : i32
    %dma_start3A_33 = tpu.memref_slice %arg6[%dma_start3A_31, %dma_start3A_32] : memref<640x32xf32, #tpu.memory_space<vmem>> -> memref<128x32xf32, #tpu.memory_space<vmem>>
    %dma_start3A_34 = arith.constant 0 : i32
    %dma_start3A_35 = tpu.memref_slice %arg5[%dma_start3A_30, %dma_start3A_34] : memref<5x128xi32, #tpu.memory_space<vmem>> -> memref<1x128xi32, #tpu.memory_space<vmem>>
    %dma_start3A_36 = tpu.memref_squeeze %dma_start3A_35 : memref<1x128xi32, #tpu.memory_space<vmem>> -> memref<128xi32, #tpu.memory_space<vmem>>
    %dma_start3A_37 = arith.constant 0 : i32
    %dma_start3A_38 = arith.constant 0 : i32
    %dma_start3A_39 = tpu.memref_slice %arg2[%dma_start3A_37, %dma_start3A_38] : memref<100000x32xf32, #tpu.memory_space<hbm>> -> memref<100000x32xf32, #tpu.memory_space<hbm>>
    tpu.enqueue_indirect_dma source(%dma_start3A_39 : memref<100000x32xf32, #tpu.memory_space<hbm>>) target(%dma_start3A_33 : memref<128x32xf32, #tpu.memory_space<vmem>>) offsets(%dma_start3A_36 : memref<128xi32, #tpu.memory_space<vmem>>) semaphore(%arg8 : memref<!tpu.dma_semaphore, #tpu.memory_space<semaphore_mem>>)
    %dma_start3A_40 = arith.constant 4 : i32
    %dma_start3A_41 = arith.constant 512 : i32
    %dma_start3A_42 = arith.constant 0 : i32
    %dma_start3A_43 = tpu.memref_slice %arg6[%dma_start3A_41, %dma_start3A_42] : memref<640x32xf32, #tpu.memory_space<vmem>> -> memref<128x32xf32, #tpu.memory_space<vmem>>
    %dma_start3A_44 = arith.constant 0 : i32
    %dma_start3A_45 = tpu.memref_slice %arg5[%dma_start3A_40, %dma_start3A_44] : memref<5x128xi32, #tpu.memory_space<vmem>> -> memref<1x128xi32, #tpu.memory_space<vmem>>
    %dma_start3A_46 = tpu.memref_squeeze %dma_start3A_45 : memref<1x128xi32, #tpu.memory_space<vmem>> -> memref<128xi32, #tpu.memory_space<vmem>>
    %dma_start3A_47 = arith.constant 0 : i32
    %dma_start3A_48 = arith.constant 0 : i32
    %dma_start3A_49 = tpu.memref_slice %arg2[%dma_start3A_47, %dma_start3A_48] : memref<100000x32xf32, #tpu.memory_space<hbm>> -> memref<100000x32xf32, #tpu.memory_space<hbm>>
    tpu.enqueue_indirect_dma source(%dma_start3A_49 : memref<100000x32xf32, #tpu.memory_space<hbm>>) target(%dma_start3A_43 : memref<128x32xf32, #tpu.memory_space<vmem>>) offsets(%dma_start3A_46 : memref<128xi32, #tpu.memory_space<vmem>>) semaphore(%arg8 : memref<!tpu.dma_semaphore, #tpu.memory_space<semaphore_mem>>)
    %dma_wait3A = arith.constant 0 : i32
    %dma_wait3A_50 = arith.constant 0 : i32
    %dma_wait3A_51 = arith.constant 0 : i32
    %dma_wait3A_52 = tpu.memref_slice %arg6[%dma_wait3A_50, %dma_wait3A_51] : memref<640x32xf32, #tpu.memory_space<vmem>> -> memref<128x32xf32, #tpu.memory_space<vmem>>
    %dma_wait3A_53 = arith.constant 0 : i32
    %dma_wait3A_54 = tpu.memref_slice %arg5[%dma_wait3A, %dma_wait3A_53] : memref<5x128xi32, #tpu.memory_space<vmem>> -> memref<1x128xi32, #tpu.memory_space<vmem>>
    %dma_wait3A_55 = tpu.memref_squeeze %dma_wait3A_54 : memref<1x128xi32, #tpu.memory_space<vmem>> -> memref<128xi32, #tpu.memory_space<vmem>>
    %dma_wait3A_56 = arith.constant 0 : i32
    %dma_wait3A_57 = arith.constant 0 : i32
    %dma_wait3A_58 = tpu.memref_slice %arg2[%dma_wait3A_56, %dma_wait3A_57] : memref<100000x32xf32, #tpu.memory_space<hbm>> -> memref<100000x32xf32, #tpu.memory_space<hbm>>
    tpu.wait_indirect_dma semaphore(%arg8 : memref<!tpu.dma_semaphore, #tpu.memory_space<semaphore_mem>>) src(%dma_wait3A_58 : memref<100000x32xf32, #tpu.memory_space<hbm>>) dst(%dma_wait3A_52 : memref<128x32xf32, #tpu.memory_space<vmem>>)
    %dma_wait3A_59 = arith.constant 1 : i32
    %dma_wait3A_60 = arith.constant 128 : i32
    %dma_wait3A_61 = arith.constant 0 : i32
    %dma_wait3A_62 = tpu.memref_slice %arg6[%dma_wait3A_60, %dma_wait3A_61] : memref<640x32xf32, #tpu.memory_space<vmem>> -> memref<128x32xf32, #tpu.memory_space<vmem>>
    %dma_wait3A_63 = arith.constant 0 : i32
    %dma_wait3A_64 = tpu.memref_slice %arg5[%dma_wait3A_59, %dma_wait3A_63] : memref<5x128xi32, #tpu.memory_space<vmem>> -> memref<1x128xi32, #tpu.memory_space<vmem>>
    %dma_wait3A_65 = tpu.memref_squeeze %dma_wait3A_64 : memref<1x128xi32, #tpu.memory_space<vmem>> -> memref<128xi32, #tpu.memory_space<vmem>>
    %dma_wait3A_66 = arith.constant 0 : i32
    %dma_wait3A_67 = arith.constant 0 : i32
    %dma_wait3A_68 = tpu.memref_slice %arg2[%dma_wait3A_66, %dma_wait3A_67] : memref<100000x32xf32, #tpu.memory_space<hbm>> -> memref<100000x32xf32, #tpu.memory_space<hbm>>
    tpu.wait_indirect_dma semaphore(%arg8 : memref<!tpu.dma_semaphore, #tpu.memory_space<semaphore_mem>>) src(%dma_wait3A_68 : memref<100000x32xf32, #tpu.memory_space<hbm>>) dst(%dma_wait3A_62 : memref<128x32xf32, #tpu.memory_space<vmem>>)
    %dma_wait3A_69 = arith.constant 2 : i32
    %dma_wait3A_70 = arith.constant 256 : i32
    %dma_wait3A_71 = arith.constant 0 : i32
    %dma_wait3A_72 = tpu.memref_slice %arg6[%dma_wait3A_70, %dma_wait3A_71] : memref<640x32xf32, #tpu.memory_space<vmem>> -> memref<128x32xf32, #tpu.memory_space<vmem>>
    %dma_wait3A_73 = arith.constant 0 : i32
    %dma_wait3A_74 = tpu.memref_slice %arg5[%dma_wait3A_69, %dma_wait3A_73] : memref<5x128xi32, #tpu.memory_space<vmem>> -> memref<1x128xi32, #tpu.memory_space<vmem>>
    %dma_wait3A_75 = tpu.memref_squeeze %dma_wait3A_74 : memref<1x128xi32, #tpu.memory_space<vmem>> -> memref<128xi32, #tpu.memory_space<vmem>>
    %dma_wait3A_76 = arith.constant 0 : i32
    %dma_wait3A_77 = arith.constant 0 : i32
    %dma_wait3A_78 = tpu.memref_slice %arg2[%dma_wait3A_76, %dma_wait3A_77] : memref<100000x32xf32, #tpu.memory_space<hbm>> -> memref<100000x32xf32, #tpu.memory_space<hbm>>
    tpu.wait_indirect_dma semaphore(%arg8 : memref<!tpu.dma_semaphore, #tpu.memory_space<semaphore_mem>>) src(%dma_wait3A_78 : memref<100000x32xf32, #tpu.memory_space<hbm>>) dst(%dma_wait3A_72 : memref<128x32xf32, #tpu.memory_space<vmem>>)
    %dma_wait3A_79 = arith.constant 3 : i32
    %dma_wait3A_80 = arith.constant 384 : i32
    %dma_wait3A_81 = arith.constant 0 : i32
    %dma_wait3A_82 = tpu.memref_slice %arg6[%dma_wait3A_80, %dma_wait3A_81] : memref<640x32xf32, #tpu.memory_space<vmem>> -> memref<128x32xf32, #tpu.memory_space<vmem>>
    %dma_wait3A_83 = arith.constant 0 : i32
    %dma_wait3A_84 = tpu.memref_slice %arg5[%dma_wait3A_79, %dma_wait3A_83] : memref<5x128xi32, #tpu.memory_space<vmem>> -> memref<1x128xi32, #tpu.memory_space<vmem>>
    %dma_wait3A_85 = tpu.memref_squeeze %dma_wait3A_84 : memref<1x128xi32, #tpu.memory_space<vmem>> -> memref<128xi32, #tpu.memory_space<vmem>>
    %dma_wait3A_86 = arith.constant 0 : i32
    %dma_wait3A_87 = arith.constant 0 : i32
    %dma_wait3A_88 = tpu.memref_slice %arg2[%dma_wait3A_86, %dma_wait3A_87] : memref<100000x32xf32, #tpu.memory_space<hbm>> -> memref<100000x32xf32, #tpu.memory_space<hbm>>
    tpu.wait_indirect_dma semaphore(%arg8 : memref<!tpu.dma_semaphore, #tpu.memory_space<semaphore_mem>>) src(%dma_wait3A_88 : memref<100000x32xf32, #tpu.memory_space<hbm>>) dst(%dma_wait3A_82 : memref<128x32xf32, #tpu.memory_space<vmem>>)
    %dma_wait3A_89 = arith.constant 4 : i32
    %dma_wait3A_90 = arith.constant 512 : i32
    %dma_wait3A_91 = arith.constant 0 : i32
    %dma_wait3A_92 = tpu.memref_slice %arg6[%dma_wait3A_90, %dma_wait3A_91] : memref<640x32xf32, #tpu.memory_space<vmem>> -> memref<128x32xf32, #tpu.memory_space<vmem>>
    %dma_wait3A_93 = arith.constant 0 : i32
    %dma_wait3A_94 = tpu.memref_slice %arg5[%dma_wait3A_89, %dma_wait3A_93] : memref<5x128xi32, #tpu.memory_space<vmem>> -> memref<1x128xi32, #tpu.memory_space<vmem>>
    %dma_wait3A_95 = tpu.memref_squeeze %dma_wait3A_94 : memref<1x128xi32, #tpu.memory_space<vmem>> -> memref<128xi32, #tpu.memory_space<vmem>>
    %dma_wait3A_96 = arith.constant 0 : i32
    %dma_wait3A_97 = arith.constant 0 : i32
    %dma_wait3A_98 = tpu.memref_slice %arg2[%dma_wait3A_96, %dma_wait3A_97] : memref<100000x32xf32, #tpu.memory_space<hbm>> -> memref<100000x32xf32, #tpu.memory_space<hbm>>
    tpu.wait_indirect_dma semaphore(%arg8 : memref<!tpu.dma_semaphore, #tpu.memory_space<semaphore_mem>>) src(%dma_wait3A_98 : memref<100000x32xf32, #tpu.memory_space<hbm>>) dst(%dma_wait3A_92 : memref<128x32xf32, #tpu.memory_space<vmem>>)
    %scan3A = arith.constant 0 : i32
    %scan3A_99 = arith.constant 0 : i32
    %scan3A_100 = arith.constant 32 : i32
    %scan3A_101 = arith.addi %scan3A_99, %scan3A_100 : i32
    %scan3A_102 = arith.constant 1 : i32
    scf.for %scan3A_106 = %scan3A_99 to %scan3A_101 step %scan3A_102  : i32 {
      %mul3A_107 = arith.constant 20 : i32
      %mul3A_108 = arith.muli %scan3A_106, %mul3A_107 : i32
      %get3A = arith.index_cast %mul3A_108 : i32 to index
      %get3A_109 = arith.constant 0 : index
      %get3A_110 = tpu.vector_load %arg6[%get3A, %get3A_109] {strides = array<i32>} : memref<640x32xf32, #tpu.memory_space<vmem>>, vector<1x16xf32>,
      %get3A_111 = vector.shape_cast %get3A_110 : vector<1x16xf32> to vector<16xf32>
      %get3A_112 = arith.index_cast %mul3A_108 : i32 to index
      %get3A_113 = arith.constant 16 : index
      %get3A_114 = tpu.vector_load %arg6[%get3A_112, %get3A_113] {strides = array<i32>} : memref<640x32xf32, #tpu.memory_space<vmem>>, vector<1x16xf32>,
      %get3A_115 = vector.shape_cast %get3A_114 : vector<1x16xf32> to vector<16xf32>
      %add3A_116 = arith.constant 1 : i32
      %add3A_117 = arith.addi %mul3A_108, %add3A_116 : i32
      %get3A_118 = arith.index_cast %add3A_117 : i32 to index
      %get3A_119 = arith.constant 0 : index
      %get3A_120 = tpu.vector_load %arg6[%get3A_118, %get3A_119] {strides = array<i32>} : memref<640x32xf32, #tpu.memory_space<vmem>>, vector<1x16xf32>,
      %get3A_121 = vector.shape_cast %get3A_120 : vector<1x16xf32> to vector<16xf32>
      %add3A_122 = arith.addf %get3A_111, %get3A_121 : vector<16xf32>
      %add3A_123 = arith.constant 1 : i32
      %add3A_124 = arith.addi %mul3A_108, %add3A_123 : i32
      %get3A_125 = arith.index_cast %add3A_124 : i32 to index
      %get3A_126 = arith.constant 16 : index
      %get3A_127 = tpu.vector_load %arg6[%get3A_125, %get3A_126] {strides = array<i32>} : memref<640x32xf32, #tpu.memory_space<vmem>>, vector<1x16xf32>,
      %get3A_128 = vector.shape_cast %get3A_127 : vector<1x16xf32> to vector<16xf32>
      %add3A_129 = arith.addf %get3A_115, %get3A_128 : vector<16xf32>
      %add3A_130 = arith.constant 2 : i32
      %add3A_131 = arith.addi %mul3A_108, %add3A_130 : i32
      %get3A_132 = arith.index_cast %add3A_131 : i32 to index
      %get3A_133 = arith.constant 0 : index
      %get3A_134 = tpu.vector_load %arg6[%get3A_132, %get3A_133] {strides = array<i32>} : memref<640x32xf32, #tpu.memory_space<vmem>>, vector<1x16xf32>,
      %get3A_135 = vector.shape_cast %get3A_134 : vector<1x16xf32> to vector<16xf32>
      %add3A_136 = arith.addf %add3A_122, %get3A_135 : vector<16xf32>
      %add3A_137 = arith.constant 2 : i32
      %add3A_138 = arith.addi %mul3A_108, %add3A_137 : i32
      %get3A_139 = arith.index_cast %add3A_138 : i32 to index
      %get3A_140 = arith.constant 16 : index
      %get3A_141 = tpu.vector_load %arg6[%get3A_139, %get3A_140] {strides = array<i32>} : memref<640x32xf32, #tpu.memory_space<vmem>>, vector<1x16xf32>,
      %get3A_142 = vector.shape_cast %get3A_141 : vector<1x16xf32> to vector<16xf32>
      %add3A_143 = arith.addf %add3A_129, %get3A_142 : vector<16xf32>
      %add3A_144 = arith.constant 3 : i32
      %add3A_145 = arith.addi %mul3A_108, %add3A_144 : i32
      %get3A_146 = arith.index_cast %add3A_145 : i32 to index
      %get3A_147 = arith.constant 0 : index
      %get3A_148 = tpu.vector_load %arg6[%get3A_146, %get3A_147] {strides = array<i32>} : memref<640x32xf32, #tpu.memory_space<vmem>>, vector<1x16xf32>,
      %get3A_149 = vector.shape_cast %get3A_148 : vector<1x16xf32> to vector<16xf32>
      %add3A_150 = arith.addf %add3A_136, %get3A_149 : vector<16xf32>
      %add3A_151 = arith.constant 3 : i32
      %add3A_152 = arith.addi %mul3A_108, %add3A_151 : i32
      %get3A_153 = arith.index_cast %add3A_152 : i32 to index
      %get3A_154 = arith.constant 16 : index
      %get3A_155 = tpu.vector_load %arg6[%get3A_153, %get3A_154] {strides = array<i32>} : memref<640x32xf32, #tpu.memory_space<vmem>>, vector<1x16xf32>,
      %get3A_156 = vector.shape_cast %get3A_155 : vector<1x16xf32> to vector<16xf32>
      %add3A_157 = arith.addf %add3A_143, %get3A_156 : vector<16xf32>
      %add3A_158 = arith.constant 4 : i32
      %add3A_159 = arith.addi %mul3A_108, %add3A_158 : i32
      %get3A_160 = arith.index_cast %add3A_159 : i32 to index
      %get3A_161 = arith.constant 0 : index
      %get3A_162 = tpu.vector_load %arg6[%get3A_160, %get3A_161] {strides = array<i32>} : memref<640x32xf32, #tpu.memory_space<vmem>>, vector<1x16xf32>,
      %get3A_163 = vector.shape_cast %get3A_162 : vector<1x16xf32> to vector<16xf32>
      %add3A_164 = arith.addf %add3A_150, %get3A_163 : vector<16xf32>
      %add3A_165 = arith.constant 4 : i32
      %add3A_166 = arith.addi %mul3A_108, %add3A_165 : i32
      %get3A_167 = arith.index_cast %add3A_166 : i32 to index
      %get3A_168 = arith.constant 16 : index
      %get3A_169 = tpu.vector_load %arg6[%get3A_167, %get3A_168] {strides = array<i32>} : memref<640x32xf32, #tpu.memory_space<vmem>>, vector<1x16xf32>,
      %get3A_170 = vector.shape_cast %get3A_169 : vector<1x16xf32> to vector<16xf32>
      %add3A_171 = arith.addf %add3A_157, %get3A_170 : vector<16xf32>
      %add3A_172 = arith.constant 5 : i32
      %add3A_173 = arith.addi %mul3A_108, %add3A_172 : i32
      %get3A_174 = arith.index_cast %add3A_173 : i32 to index
      %get3A_175 = arith.constant 0 : index
      %get3A_176 = tpu.vector_load %arg6[%get3A_174, %get3A_175] {strides = array<i32>} : memref<640x32xf32, #tpu.memory_space<vmem>>, vector<1x16xf32>,
      %get3A_177 = vector.shape_cast %get3A_176 : vector<1x16xf32> to vector<16xf32>
      %add3A_178 = arith.addf %add3A_164, %get3A_177 : vector<16xf32>
      %add3A_179 = arith.constant 5 : i32
      %add3A_180 = arith.addi %mul3A_108, %add3A_179 : i32
      %get3A_181 = arith.index_cast %add3A_180 : i32 to index
      %get3A_182 = arith.constant 16 : index
      %get3A_183 = tpu.vector_load %arg6[%get3A_181, %get3A_182] {strides = array<i32>} : memref<640x32xf32, #tpu.memory_space<vmem>>, vector<1x16xf32>,
      %get3A_184 = vector.shape_cast %get3A_183 : vector<1x16xf32> to vector<16xf32>
      %add3A_185 = arith.addf %add3A_171, %get3A_184 : vector<16xf32>
      %add3A_186 = arith.constant 6 : i32
      %add3A_187 = arith.addi %mul3A_108, %add3A_186 : i32
      %get3A_188 = arith.index_cast %add3A_187 : i32 to index
      %get3A_189 = arith.constant 0 : index
      %get3A_190 = tpu.vector_load %arg6[%get3A_188, %get3A_189] {strides = array<i32>} : memref<640x32xf32, #tpu.memory_space<vmem>>, vector<1x16xf32>,
      %get3A_191 = vector.shape_cast %get3A_190 : vector<1x16xf32> to vector<16xf32>
      %add3A_192 = arith.addf %add3A_178, %get3A_191 : vector<16xf32>
      %add3A_193 = arith.constant 6 : i32
      %add3A_194 = arith.addi %mul3A_108, %add3A_193 : i32
      %get3A_195 = arith.index_cast %add3A_194 : i32 to index
      %get3A_196 = arith.constant 16 : index
      %get3A_197 = tpu.vector_load %arg6[%get3A_195, %get3A_196] {strides = array<i32>} : memref<640x32xf32, #tpu.memory_space<vmem>>, vector<1x16xf32>,
      %get3A_198 = vector.shape_cast %get3A_197 : vector<1x16xf32> to vector<16xf32>
      %add3A_199 = arith.addf %add3A_185, %get3A_198 : vector<16xf32>
      %add3A_200 = arith.constant 7 : i32
      %add3A_201 = arith.addi %mul3A_108, %add3A_200 : i32
      %get3A_202 = arith.index_cast %add3A_201 : i32 to index
      %get3A_203 = arith.constant 0 : index
      %get3A_204 = tpu.vector_load %arg6[%get3A_202, %get3A_203] {strides = array<i32>} : memref<640x32xf32, #tpu.memory_space<vmem>>, vector<1x16xf32>,
      %get3A_205 = vector.shape_cast %get3A_204 : vector<1x16xf32> to vector<16xf32>
      %add3A_206 = arith.addf %add3A_192, %get3A_205 : vector<16xf32>
      %add3A_207 = arith.constant 7 : i32
      %add3A_208 = arith.addi %mul3A_108, %add3A_207 : i32
      %get3A_209 = arith.index_cast %add3A_208 : i32 to index
      %get3A_210 = arith.constant 16 : index
      %get3A_211 = tpu.vector_load %arg6[%get3A_209, %get3A_210] {strides = array<i32>} : memref<640x32xf32, #tpu.memory_space<vmem>>, vector<1x16xf32>,
      %get3A_212 = vector.shape_cast %get3A_211 : vector<1x16xf32> to vector<16xf32>
      %add3A_213 = arith.addf %add3A_199, %get3A_212 : vector<16xf32>
      %add3A_214 = arith.constant 8 : i32
      %add3A_215 = arith.addi %mul3A_108, %add3A_214 : i32
      %get3A_216 = arith.index_cast %add3A_215 : i32 to index
      %get3A_217 = arith.constant 0 : index
      %get3A_218 = tpu.vector_load %arg6[%get3A_216, %get3A_217] {strides = array<i32>} : memref<640x32xf32, #tpu.memory_space<vmem>>, vector<1x16xf32>,
      %get3A_219 = vector.shape_cast %get3A_218 : vector<1x16xf32> to vector<16xf32>
      %add3A_220 = arith.addf %add3A_206, %get3A_219 : vector<16xf32>
      %add3A_221 = arith.constant 8 : i32
      %add3A_222 = arith.addi %mul3A_108, %add3A_221 : i32
      %get3A_223 = arith.index_cast %add3A_222 : i32 to index
      %get3A_224 = arith.constant 16 : index
      %get3A_225 = tpu.vector_load %arg6[%get3A_223, %get3A_224] {strides = array<i32>} : memref<640x32xf32, #tpu.memory_space<vmem>>, vector<1x16xf32>,
      %get3A_226 = vector.shape_cast %get3A_225 : vector<1x16xf32> to vector<16xf32>
      %add3A_227 = arith.addf %add3A_213, %get3A_226 : vector<16xf32>
      %add3A_228 = arith.constant 9 : i32
      %add3A_229 = arith.addi %mul3A_108, %add3A_228 : i32
      %get3A_230 = arith.index_cast %add3A_229 : i32 to index
      %get3A_231 = arith.constant 0 : index
      %get3A_232 = tpu.vector_load %arg6[%get3A_230, %get3A_231] {strides = array<i32>} : memref<640x32xf32, #tpu.memory_space<vmem>>, vector<1x16xf32>,
      %get3A_233 = vector.shape_cast %get3A_232 : vector<1x16xf32> to vector<16xf32>
      %add3A_234 = arith.addf %add3A_220, %get3A_233 : vector<16xf32>
      %add3A_235 = arith.constant 9 : i32
      %add3A_236 = arith.addi %mul3A_108, %add3A_235 : i32
      %get3A_237 = arith.index_cast %add3A_236 : i32 to index
      %get3A_238 = arith.constant 16 : index
      %get3A_239 = tpu.vector_load %arg6[%get3A_237, %get3A_238] {strides = array<i32>} : memref<640x32xf32, #tpu.memory_space<vmem>>, vector<1x16xf32>,
      %get3A_240 = vector.shape_cast %get3A_239 : vector<1x16xf32> to vector<16xf32>
      %add3A_241 = arith.addf %add3A_227, %get3A_240 : vector<16xf32>
      %add3A_242 = arith.constant 10 : i32
      %add3A_243 = arith.addi %mul3A_108, %add3A_242 : i32
      %get3A_244 = arith.index_cast %add3A_243 : i32 to index
      %get3A_245 = arith.constant 0 : index
      %get3A_246 = tpu.vector_load %arg6[%get3A_244, %get3A_245] {strides = array<i32>} : memref<640x32xf32, #tpu.memory_space<vmem>>, vector<1x16xf32>,
      %get3A_247 = vector.shape_cast %get3A_246 : vector<1x16xf32> to vector<16xf32>
      %add3A_248 = arith.addf %add3A_234, %get3A_247 : vector<16xf32>
      %add3A_249 = arith.constant 10 : i32
      %add3A_250 = arith.addi %mul3A_108, %add3A_249 : i32
      %get3A_251 = arith.index_cast %add3A_250 : i32 to index
      %get3A_252 = arith.constant 16 : index
      %get3A_253 = tpu.vector_load %arg6[%get3A_251, %get3A_252] {strides = array<i32>} : memref<640x32xf32, #tpu.memory_space<vmem>>, vector<1x16xf32>,
      %get3A_254 = vector.shape_cast %get3A_253 : vector<1x16xf32> to vector<16xf32>
      %add3A_255 = arith.addf %add3A_241, %get3A_254 : vector<16xf32>
      %add3A_256 = arith.constant 11 : i32
      %add3A_257 = arith.addi %mul3A_108, %add3A_256 : i32
      %get3A_258 = arith.index_cast %add3A_257 : i32 to index
      %get3A_259 = arith.constant 0 : index
      %get3A_260 = tpu.vector_load %arg6[%get3A_258, %get3A_259] {strides = array<i32>} : memref<640x32xf32, #tpu.memory_space<vmem>>, vector<1x16xf32>,
      %get3A_261 = vector.shape_cast %get3A_260 : vector<1x16xf32> to vector<16xf32>
      %add3A_262 = arith.addf %add3A_248, %get3A_261 : vector<16xf32>
      %add3A_263 = arith.constant 11 : i32
      %add3A_264 = arith.addi %mul3A_108, %add3A_263 : i32
      %get3A_265 = arith.index_cast %add3A_264 : i32 to index
      %get3A_266 = arith.constant 16 : index
      %get3A_267 = tpu.vector_load %arg6[%get3A_265, %get3A_266] {strides = array<i32>} : memref<640x32xf32, #tpu.memory_space<vmem>>, vector<1x16xf32>,
      %get3A_268 = vector.shape_cast %get3A_267 : vector<1x16xf32> to vector<16xf32>
      %add3A_269 = arith.addf %add3A_255, %get3A_268 : vector<16xf32>
      %add3A_270 = arith.constant 12 : i32
      %add3A_271 = arith.addi %mul3A_108, %add3A_270 : i32
      %get3A_272 = arith.index_cast %add3A_271 : i32 to index
      %get3A_273 = arith.constant 0 : index
      %get3A_274 = tpu.vector_load %arg6[%get3A_272, %get3A_273] {strides = array<i32>} : memref<640x32xf32, #tpu.memory_space<vmem>>, vector<1x16xf32>,
      %get3A_275 = vector.shape_cast %get3A_274 : vector<1x16xf32> to vector<16xf32>
      %add3A_276 = arith.addf %add3A_262, %get3A_275 : vector<16xf32>
      %add3A_277 = arith.constant 12 : i32
      %add3A_278 = arith.addi %mul3A_108, %add3A_277 : i32
      %get3A_279 = arith.index_cast %add3A_278 : i32 to index
      %get3A_280 = arith.constant 16 : index
      %get3A_281 = tpu.vector_load %arg6[%get3A_279, %get3A_280] {strides = array<i32>} : memref<640x32xf32, #tpu.memory_space<vmem>>, vector<1x16xf32>,
      %get3A_282 = vector.shape_cast %get3A_281 : vector<1x16xf32> to vector<16xf32>
      %add3A_283 = arith.addf %add3A_269, %get3A_282 : vector<16xf32>
      %add3A_284 = arith.constant 13 : i32
      %add3A_285 = arith.addi %mul3A_108, %add3A_284 : i32
      %get3A_286 = arith.index_cast %add3A_285 : i32 to index
      %get3A_287 = arith.constant 0 : index
      %get3A_288 = tpu.vector_load %arg6[%get3A_286, %get3A_287] {strides = array<i32>} : memref<640x32xf32, #tpu.memory_space<vmem>>, vector<1x16xf32>,
      %get3A_289 = vector.shape_cast %get3A_288 : vector<1x16xf32> to vector<16xf32>
      %add3A_290 = arith.addf %add3A_276, %get3A_289 : vector<16xf32>
      %add3A_291 = arith.constant 13 : i32
      %add3A_292 = arith.addi %mul3A_108, %add3A_291 : i32
      %get3A_293 = arith.index_cast %add3A_292 : i32 to index
      %get3A_294 = arith.constant 16 : index
      %get3A_295 = tpu.vector_load %arg6[%get3A_293, %get3A_294] {strides = array<i32>} : memref<640x32xf32, #tpu.memory_space<vmem>>, vector<1x16xf32>,
      %get3A_296 = vector.shape_cast %get3A_295 : vector<1x16xf32> to vector<16xf32>
      %add3A_297 = arith.addf %add3A_283, %get3A_296 : vector<16xf32>
      %add3A_298 = arith.constant 14 : i32
      %add3A_299 = arith.addi %mul3A_108, %add3A_298 : i32
      %get3A_300 = arith.index_cast %add3A_299 : i32 to index
      %get3A_301 = arith.constant 0 : index
      %get3A_302 = tpu.vector_load %arg6[%get3A_300, %get3A_301] {strides = array<i32>} : memref<640x32xf32, #tpu.memory_space<vmem>>, vector<1x16xf32>,
      %get3A_303 = vector.shape_cast %get3A_302 : vector<1x16xf32> to vector<16xf32>
      %add3A_304 = arith.addf %add3A_290, %get3A_303 : vector<16xf32>
      %add3A_305 = arith.constant 14 : i32
      %add3A_306 = arith.addi %mul3A_108, %add3A_305 : i32
      %get3A_307 = arith.index_cast %add3A_306 : i32 to index
      %get3A_308 = arith.constant 16 : index
      %get3A_309 = tpu.vector_load %arg6[%get3A_307, %get3A_308] {strides = array<i32>} : memref<640x32xf32, #tpu.memory_space<vmem>>, vector<1x16xf32>,
      %get3A_310 = vector.shape_cast %get3A_309 : vector<1x16xf32> to vector<16xf32>
      %add3A_311 = arith.addf %add3A_297, %get3A_310 : vector<16xf32>
      %add3A_312 = arith.constant 15 : i32
      %add3A_313 = arith.addi %mul3A_108, %add3A_312 : i32
      %get3A_314 = arith.index_cast %add3A_313 : i32 to index
      %get3A_315 = arith.constant 0 : index
      %get3A_316 = tpu.vector_load %arg6[%get3A_314, %get3A_315] {strides = array<i32>} : memref<640x32xf32, #tpu.memory_space<vmem>>, vector<1x16xf32>,
      %get3A_317 = vector.shape_cast %get3A_316 : vector<1x16xf32> to vector<16xf32>
      %add3A_318 = arith.addf %add3A_304, %get3A_317 : vector<16xf32>
      %add3A_319 = arith.constant 15 : i32
      %add3A_320 = arith.addi %mul3A_108, %add3A_319 : i32
      %get3A_321 = arith.index_cast %add3A_320 : i32 to index
      %get3A_322 = arith.constant 16 : index
      %get3A_323 = tpu.vector_load %arg6[%get3A_321, %get3A_322] {strides = array<i32>} : memref<640x32xf32, #tpu.memory_space<vmem>>, vector<1x16xf32>,
      %get3A_324 = vector.shape_cast %get3A_323 : vector<1x16xf32> to vector<16xf32>
      %add3A_325 = arith.addf %add3A_311, %get3A_324 : vector<16xf32>
      %add3A_326 = arith.constant 16 : i32
      %add3A_327 = arith.addi %mul3A_108, %add3A_326 : i32
      %get3A_328 = arith.index_cast %add3A_327 : i32 to index
      %get3A_329 = arith.constant 0 : index
      %get3A_330 = tpu.vector_load %arg6[%get3A_328, %get3A_329] {strides = array<i32>} : memref<640x32xf32, #tpu.memory_space<vmem>>, vector<1x16xf32>,
      %get3A_331 = vector.shape_cast %get3A_330 : vector<1x16xf32> to vector<16xf32>
      %add3A_332 = arith.addf %add3A_318, %get3A_331 : vector<16xf32>
      %add3A_333 = arith.constant 16 : i32
      %add3A_334 = arith.addi %mul3A_108, %add3A_333 : i32
      %get3A_335 = arith.index_cast %add3A_334 : i32 to index
      %get3A_336 = arith.constant 16 : index
      %get3A_337 = tpu.vector_load %arg6[%get3A_335, %get3A_336] {strides = array<i32>} : memref<640x32xf32, #tpu.memory_space<vmem>>, vector<1x16xf32>,
      %get3A_338 = vector.shape_cast %get3A_337 : vector<1x16xf32> to vector<16xf32>
      %add3A_339 = arith.addf %add3A_325, %get3A_338 : vector<16xf32>
      %add3A_340 = arith.constant 17 : i32
      %add3A_341 = arith.addi %mul3A_108, %add3A_340 : i32
      %get3A_342 = arith.index_cast %add3A_341 : i32 to index
      %get3A_343 = arith.constant 0 : index
      %get3A_344 = tpu.vector_load %arg6[%get3A_342, %get3A_343] {strides = array<i32>} : memref<640x32xf32, #tpu.memory_space<vmem>>, vector<1x16xf32>,
      %get3A_345 = vector.shape_cast %get3A_344 : vector<1x16xf32> to vector<16xf32>
      %add3A_346 = arith.addf %add3A_332, %get3A_345 : vector<16xf32>
      %add3A_347 = arith.constant 17 : i32
      %add3A_348 = arith.addi %mul3A_108, %add3A_347 : i32
      %get3A_349 = arith.index_cast %add3A_348 : i32 to index
      %get3A_350 = arith.constant 16 : index
      %get3A_351 = tpu.vector_load %arg6[%get3A_349, %get3A_350] {strides = array<i32>} : memref<640x32xf32, #tpu.memory_space<vmem>>, vector<1x16xf32>,
      %get3A_352 = vector.shape_cast %get3A_351 : vector<1x16xf32> to vector<16xf32>
      %add3A_353 = arith.addf %add3A_339, %get3A_352 : vector<16xf32>
      %add3A_354 = arith.constant 18 : i32
      %add3A_355 = arith.addi %mul3A_108, %add3A_354 : i32
      %get3A_356 = arith.index_cast %add3A_355 : i32 to index
      %get3A_357 = arith.constant 0 : index
      %get3A_358 = tpu.vector_load %arg6[%get3A_356, %get3A_357] {strides = array<i32>} : memref<640x32xf32, #tpu.memory_space<vmem>>, vector<1x16xf32>,
      %get3A_359 = vector.shape_cast %get3A_358 : vector<1x16xf32> to vector<16xf32>
      %add3A_360 = arith.addf %add3A_346, %get3A_359 : vector<16xf32>
      %add3A_361 = arith.constant 18 : i32
      %add3A_362 = arith.addi %mul3A_108, %add3A_361 : i32
      %get3A_363 = arith.index_cast %add3A_362 : i32 to index
      %get3A_364 = arith.constant 16 : index
      %get3A_365 = tpu.vector_load %arg6[%get3A_363, %get3A_364] {strides = array<i32>} : memref<640x32xf32, #tpu.memory_space<vmem>>, vector<1x16xf32>,
      %get3A_366 = vector.shape_cast %get3A_365 : vector<1x16xf32> to vector<16xf32>
      %add3A_367 = arith.addf %add3A_353, %get3A_366 : vector<16xf32>
      %add3A_368 = arith.constant 19 : i32
      %add3A_369 = arith.addi %mul3A_108, %add3A_368 : i32
      %get3A_370 = arith.index_cast %add3A_369 : i32 to index
      %get3A_371 = arith.constant 0 : index
      %get3A_372 = tpu.vector_load %arg6[%get3A_370, %get3A_371] {strides = array<i32>} : memref<640x32xf32, #tpu.memory_space<vmem>>, vector<1x16xf32>,
      %get3A_373 = vector.shape_cast %get3A_372 : vector<1x16xf32> to vector<16xf32>
      %add3A_374 = arith.addf %add3A_360, %get3A_373 : vector<16xf32>
      %add3A_375 = arith.constant 19 : i32
      %add3A_376 = arith.addi %mul3A_108, %add3A_375 : i32
      %get3A_377 = arith.index_cast %add3A_376 : i32 to index
      %get3A_378 = arith.constant 16 : index
      %get3A_379 = tpu.vector_load %arg6[%get3A_377, %get3A_378] {strides = array<i32>} : memref<640x32xf32, #tpu.memory_space<vmem>>, vector<1x16xf32>,
      %get3A_380 = vector.shape_cast %get3A_379 : vector<1x16xf32> to vector<16xf32>
      %add3A_381 = arith.addf %add3A_367, %get3A_380 : vector<16xf32>
      %swap3A = arith.index_cast %scan3A_106 : i32 to index
      %swap3A_382 = arith.constant 0 : index
      %swap3A_383 = tpu.vector_load %arg7[%swap3A, %swap3A_382] {strides = array<i32>} : memref<32x32xf32, #tpu.memory_space<vmem>>, vector<1x16xf32>,
      %swap3A_384 = vector.shape_cast %swap3A_383 : vector<1x16xf32> to vector<16xf32>
      %swap3A_385 = vector.shape_cast %add3A_374 : vector<16xf32> to vector<1x16xf32>
      tpu.vector_store %arg7[%swap3A, %swap3A_382], %swap3A_385 {strides = array<i32>} : memref<32x32xf32, #tpu.memory_space<vmem>>, vector<1x16xf32>,
      %swap3A_386 = arith.index_cast %scan3A_106 : i32 to index
      %swap3A_387 = arith.constant 16 : index
      %swap3A_388 = tpu.vector_load %arg7[%swap3A_386, %swap3A_387] {strides = array<i32>} : memref<32x32xf32, #tpu.memory_space<vmem>>, vector<1x16xf32>,
      %swap3A_389 = vector.shape_cast %swap3A_388 : vector<1x16xf32> to vector<16xf32>
      %swap3A_390 = vector.shape_cast %add3A_381 : vector<16xf32> to vector<1x16xf32>
      tpu.vector_store %arg7[%swap3A_386, %swap3A_387], %swap3A_390 {strides = array<i32>} : memref<32x32xf32, #tpu.memory_space<vmem>>, vector<1x16xf32>,
    }
    %scan3A_103 = arith.constant 32 : i32
    %mul3A_104 = arith.constant 32 : i32
    %mul3A_105 = arith.muli %add3A, %mul3A_104 : i32
    "tpu.region"() ({
      %run_scoped3A = tpu.sem_alloc : memref<!tpu.dma_semaphore, #tpu.memory_space<semaphore_mem>>
      %dma_start3A_106 = arith.constant 0 : i32
      %dma_start3A_107 = tpu.memref_slice %arg4[%mul3A_105, %dma_start3A_106] : memref<1024x32xf32, #tpu.memory_space<hbm>> -> memref<32x32xf32, #tpu.memory_space<hbm>>
      %dma_start3A_108 = arith.constant 0 : i32
      %dma_start3A_109 = tpu.memref_slice %arg4[%mul3A_105, %dma_start3A_108] : memref<1024x32xf32, #tpu.memory_space<hbm>> -> memref<32x32xf32, #tpu.memory_space<hbm>>
      tpu.enqueue_dma source(%arg7 : memref<32x32xf32, #tpu.memory_space<vmem>>) target(%dma_start3A_109 : memref<32x32xf32, #tpu.memory_space<hbm>>) target_semaphore(%run_scoped3A : memref<!tpu.dma_semaphore, #tpu.memory_space<semaphore_mem>>)
      %dma_wait3A_110 = arith.constant 0 : i32
      %dma_wait3A_111 = tpu.memref_slice %arg4[%mul3A_105, %dma_wait3A_110] : memref<1024x32xf32, #tpu.memory_space<hbm>> -> memref<32x32xf32, #tpu.memory_space<hbm>>
      %dma_wait3A_112 = arith.constant 0 : i32
      %dma_wait3A_113 = tpu.memref_slice %arg4[%mul3A_105, %dma_wait3A_112] : memref<1024x32xf32, #tpu.memory_space<hbm>> -> memref<32x32xf32, #tpu.memory_space<hbm>>
      tpu.wait_dma2 semaphore(%run_scoped3A : memref<!tpu.dma_semaphore, #tpu.memory_space<semaphore_mem>>) src(%arg7 : memref<32x32xf32, #tpu.memory_space<vmem>>) dst(%dma_wait3A_113 : memref<32x32xf32, #tpu.memory_space<hbm>>)
      tpu.yield
    }) : () -> ()
    return
  }
}

module attributes {stable_mosaic.version = 14 : i64} {
  func.func @_fused_body(%arg0: i32, %arg1: memref<1024x32xf32, #tpu.memory_space<vmem>>, %arg2: memref<32x2048xf32, #tpu.memory_space<vmem>>, %arg3: memref<2048xf32, #tpu.memory_space<vmem>>, %arg4: memref<2048x1024xf32, #tpu.memory_space<vmem>>, %arg5: memref<1024x1xf32, #tpu.memory_space<vmem>>, %arg6: memref<1024x1xf32, #tpu.memory_space<vmem>>, %arg7: memref<1x1024xf32, #tpu.memory_space<vmem>>) attributes {dimension_semantics = [#tpu.dimension_semantics<arbitrary>], iteration_bounds = array<i64: 98>, scalar_prefetch = 0 : i64, scratch_operands = 3 : i64, tpu.core_type = #tpu.core_type<tc>, window_params = [{pipeline_mode = #tpu.pipeline_mode<synchronous>, transform_indices = @transform_0, window_bounds = array<i64: 1024, 32>}, {transform_indices = @transform_1, window_bounds = array<i64: 32, 2048>}, {transform_indices = @transform_2, window_bounds = array<i64: 2048>}, {transform_indices = @transform_3, window_bounds = array<i64: 2048, 1024>}]} {
    %lt3A = arith.constant 49 : i32
    %lt3A_0 = arith.cmpi slt, %arg0, %lt3A : i32
    %convert_element_type3A = arith.extui %lt3A_0 : i1 to i32
    %cond3A = arith.constant 0 : i32
    %cond3A_1 = arith.cmpi ne, %convert_element_type3A, %cond3A : i32
    scf.if %cond3A_1 {
      %get3A = arith.constant 0 : index
      %get3A_6 = arith.constant 0 : index
      %get3A_7 = vector.load %arg1[%get3A, %get3A_6] : memref<1024x32xf32, #tpu.memory_space<vmem>>, vector<1024x32xf32>
      %mul3A = arith.constant 1.44269502 : f32
      %mul3A_8 = vector.broadcast %mul3A : f32 to vector<1024x32xf32>
      %mul3A_9 = arith.mulf %get3A_7, %mul3A_8 : vector<1024x32xf32>
      %get3A_10 = arith.constant 0 : index
      %get3A_11 = vector.load %arg3[%get3A_10] : memref<2048xf32, #tpu.memory_space<vmem>>, vector<2048xf32>
      %mul3A_12 = arith.constant 1.44269502 : f32
      %mul3A_13 = vector.broadcast %mul3A_12 : f32 to vector<2048xf32>
      %mul3A_14 = arith.mulf %get3A_11, %mul3A_13 : vector<2048xf32>
      %get3A_15 = arith.constant 0 : index
      %get3A_16 = arith.constant 0 : index
      %get3A_17 = vector.load %arg2[%get3A_15, %get3A_16] : memref<32x2048xf32, #tpu.memory_space<vmem>>, vector<32x512xf32>
      %dot_general3A = arith.constant dense<0.000000e+00> : vector<1024x512xf32>
      %dot_general3A_18 = tpu.matmul %mul3A_9, %get3A_17, %dot_general3A {dimension_numbers = #tpu.dot_dimension_numbers<[1], [0], [0], [1], [0, 0, 1, 1], [], []>, transpose_lhs_hint = false} : vector<1024x32xf32>, vector<32x512xf32>, vector<1024x512xf32> -> vector<1024x512xf32>
      %slice3A = vector.extract_strided_slice %mul3A_14 {offsets = [0], sizes = [512], strides = [1]} : vector<2048xf32> to vector<512xf32>
      %broadcast_in_dim3A = vector.shape_cast %slice3A : vector<512xf32> to vector<1x512xf32>
      %add3A = vector.broadcast %broadcast_in_dim3A : vector<1x512xf32> to vector<1024x512xf32>
      %add3A_19 = arith.addf %dot_general3A_18, %add3A : vector<1024x512xf32>
      %get3A_20 = arith.constant 0 : index
      %get3A_21 = arith.constant 512 : index
      %get3A_22 = vector.load %arg2[%get3A_20, %get3A_21] : memref<32x2048xf32, #tpu.memory_space<vmem>>, vector<32x512xf32>
      %dot_general3A_23 = arith.constant dense<0.000000e+00> : vector<1024x512xf32>
      %dot_general3A_24 = tpu.matmul %mul3A_9, %get3A_22, %dot_general3A_23 {dimension_numbers = #tpu.dot_dimension_numbers<[1], [0], [0], [1], [0, 0, 1, 1], [], []>, transpose_lhs_hint = false} : vector<1024x32xf32>, vector<32x512xf32>, vector<1024x512xf32> -> vector<1024x512xf32>
      %slice3A_25 = vector.extract_strided_slice %mul3A_14 {offsets = [512], sizes = [512], strides = [1]} : vector<2048xf32> to vector<512xf32>
      %broadcast_in_dim3A_26 = vector.shape_cast %slice3A_25 : vector<512xf32> to vector<1x512xf32>
      %add3A_27 = vector.broadcast %broadcast_in_dim3A_26 : vector<1x512xf32> to vector<1024x512xf32>
      %add3A_28 = arith.addf %dot_general3A_24, %add3A_27 : vector<1024x512xf32>
      %get3A_29 = arith.constant 0 : index
      %get3A_30 = arith.constant 1024 : index
      %get3A_31 = vector.load %arg2[%get3A_29, %get3A_30] : memref<32x2048xf32, #tpu.memory_space<vmem>>, vector<32x512xf32>
      %dot_general3A_32 = arith.constant dense<0.000000e+00> : vector<1024x512xf32>
      %dot_general3A_33 = tpu.matmul %mul3A_9, %get3A_31, %dot_general3A_32 {dimension_numbers = #tpu.dot_dimension_numbers<[1], [0], [0], [1], [0, 0, 1, 1], [], []>, transpose_lhs_hint = false} : vector<1024x32xf32>, vector<32x512xf32>, vector<1024x512xf32> -> vector<1024x512xf32>
      %slice3A_34 = vector.extract_strided_slice %mul3A_14 {offsets = [1024], sizes = [512], strides = [1]} : vector<2048xf32> to vector<512xf32>
      %broadcast_in_dim3A_35 = vector.shape_cast %slice3A_34 : vector<512xf32> to vector<1x512xf32>
      %add3A_36 = vector.broadcast %broadcast_in_dim3A_35 : vector<1x512xf32> to vector<1024x512xf32>
      %add3A_37 = arith.addf %dot_general3A_33, %add3A_36 : vector<1024x512xf32>
      %get3A_38 = arith.constant 0 : index
      %get3A_39 = arith.constant 1536 : index
      %get3A_40 = vector.load %arg2[%get3A_38, %get3A_39] : memref<32x2048xf32, #tpu.memory_space<vmem>>, vector<32x512xf32>
      %dot_general3A_41 = arith.constant dense<0.000000e+00> : vector<1024x512xf32>
      %dot_general3A_42 = tpu.matmul %mul3A_9, %get3A_40, %dot_general3A_41 {dimension_numbers = #tpu.dot_dimension_numbers<[1], [0], [0], [1], [0, 0, 1, 1], [], []>, transpose_lhs_hint = false} : vector<1024x32xf32>, vector<32x512xf32>, vector<1024x512xf32> -> vector<1024x512xf32>
      %slice3A_43 = vector.extract_strided_slice %mul3A_14 {offsets = [1536], sizes = [512], strides = [1]} : vector<2048xf32> to vector<512xf32>
      %broadcast_in_dim3A_44 = vector.shape_cast %slice3A_43 : vector<512xf32> to vector<1x512xf32>
      %add3A_45 = vector.broadcast %broadcast_in_dim3A_44 : vector<1x512xf32> to vector<1024x512xf32>
      %add3A_46 = arith.addf %dot_general3A_42, %add3A_45 : vector<1024x512xf32>
      %eq3A = arith.constant 0 : i32
      %eq3A_47 = arith.cmpi eq, %arg0, %eq3A : i32
      %convert_element_type3A_48 = arith.extui %eq3A_47 : i1 to i32
      %cond3A_49 = arith.constant 0 : i32
      %cond3A_50 = arith.cmpi ne, %convert_element_type3A_48, %cond3A_49 : i32
      scf.if %cond3A_50 {
        %reduce_max3A = arith.constant dense<0xFF800000> : vector<1024xf32>
        %reduce_max3A_102 = vector.multi_reduction <maximumf>, %add3A_19, %reduce_max3A [1] : vector<1024x512xf32> to vector<1024xf32>
        %broadcast_in_dim3A_103 = vector.shape_cast %reduce_max3A_102 : vector<1024xf32> to vector<1024x1xf32>
        %swap3A_104 = arith.constant 0 : index
        %swap3A_105 = arith.constant 0 : index
        %swap3A_106 = vector.load %arg5[%swap3A_104, %swap3A_105] : memref<1024x1xf32, #tpu.memory_space<vmem>>, vector<1024x1xf32>
        tpu.vector_store %arg5[%swap3A_104, %swap3A_105], %broadcast_in_dim3A_103 {strides = array<i32>} : memref<1024x1xf32, #tpu.memory_space<vmem>>, vector<1024x1xf32>,
        %broadcast_in_dim3A_107 = arith.constant 0.000000e+00 : f32
        %broadcast_in_dim3A_108 = vector.broadcast %broadcast_in_dim3A_107 : f32 to vector<1024x1xf32>
        %swap3A_109 = arith.constant 0 : index
        %swap3A_110 = arith.constant 0 : index
        %swap3A_111 = vector.load %arg6[%swap3A_109, %swap3A_110] : memref<1024x1xf32, #tpu.memory_space<vmem>>, vector<1024x1xf32>
        tpu.vector_store %arg6[%swap3A_109, %swap3A_110], %broadcast_in_dim3A_108 {strides = array<i32>} : memref<1024x1xf32, #tpu.memory_space<vmem>>, vector<1024x1xf32>,
      } else {
      }
      %get3A_51 = arith.constant 0 : index
      %get3A_52 = arith.constant 0 : index
      %get3A_53 = vector.load %arg5[%get3A_51, %get3A_52] : memref<1024x1xf32, #tpu.memory_space<vmem>>, vector<1024x1xf32>
      %broadcast_in_dim3A_54 = arith.constant 0.000000e+00 : f32
      %broadcast_in_dim3A_55 = vector.broadcast %broadcast_in_dim3A_54 : f32 to vector<1024x1xf32>
      %sub3A = vector.broadcast %get3A_53 : vector<1024x1xf32> to vector<1024x512xf32>
      %sub3A_56 = arith.subf %add3A_19, %sub3A : vector<1024x512xf32>
      %exp23A = math.exp2 %sub3A_56 : vector<1024x512xf32>
      %reduce_sum3A = arith.constant dense<0.000000e+00> : vector<1024xf32>
      %reduce_sum3A_57 = vector.multi_reduction <add>, %exp23A, %reduce_sum3A [1] : vector<1024x512xf32> to vector<1024xf32>
      %broadcast_in_dim3A_58 = vector.shape_cast %reduce_sum3A_57 : vector<1024xf32> to vector<1024x1xf32>
      %add3A_59 = arith.addf %broadcast_in_dim3A_55, %broadcast_in_dim3A_58 : vector<1024x1xf32>
      %sub3A_60 = vector.broadcast %get3A_53 : vector<1024x1xf32> to vector<1024x512xf32>
      %sub3A_61 = arith.subf %add3A_28, %sub3A_60 : vector<1024x512xf32>
      %exp23A_62 = math.exp2 %sub3A_61 : vector<1024x512xf32>
      %reduce_sum3A_63 = arith.constant dense<0.000000e+00> : vector<1024xf32>
      %reduce_sum3A_64 = vector.multi_reduction <add>, %exp23A_62, %reduce_sum3A_63 [1] : vector<1024x512xf32> to vector<1024xf32>
      %broadcast_in_dim3A_65 = vector.shape_cast %reduce_sum3A_64 : vector<1024xf32> to vector<1024x1xf32>
      %add3A_66 = arith.addf %add3A_59, %broadcast_in_dim3A_65 : vector<1024x1xf32>
      %sub3A_67 = vector.broadcast %get3A_53 : vector<1024x1xf32> to vector<1024x512xf32>
      %sub3A_68 = arith.subf %add3A_37, %sub3A_67 : vector<1024x512xf32>
      %exp23A_69 = math.exp2 %sub3A_68 : vector<1024x512xf32>
      %reduce_sum3A_70 = arith.constant dense<0.000000e+00> : vector<1024xf32>
      %reduce_sum3A_71 = vector.multi_reduction <add>, %exp23A_69, %reduce_sum3A_70 [1] : vector<1024x512xf32> to vector<1024xf32>
      %broadcast_in_dim3A_72 = vector.shape_cast %reduce_sum3A_71 : vector<1024xf32> to vector<1024x1xf32>
      %add3A_73 = arith.addf %add3A_66, %broadcast_in_dim3A_72 : vector<1024x1xf32>
      %sub3A_74 = vector.broadcast %get3A_53 : vector<1024x1xf32> to vector<1024x512xf32>
      %sub3A_75 = arith.subf %add3A_46, %sub3A_74 : vector<1024x512xf32>
      %exp23A_76 = math.exp2 %sub3A_75 : vector<1024x512xf32>
      %mul3A_77 = arith.constant 2048 : i32
      %mul3A_78 = arith.muli %arg0, %mul3A_77 : i32
      %add3A_79 = arith.constant 1536 : i32
      %add3A_80 = arith.addi %mul3A_78, %add3A_79 : i32
      %iota3A = tpu.iota {dimensions = array<i32: 1>} : vector<1024x512xi32>
      %add3A_81 = vector.broadcast %add3A_80 : i32 to vector<1024x512xi32>
      %add3A_82 = arith.addi %add3A_81, %iota3A : vector<1024x512xi32>
      %lt3A_83 = arith.constant 100000 : i32
      %lt3A_84 = vector.broadcast %lt3A_83 : i32 to vector<1024x512xi32>
      %lt3A_85 = arith.cmpi slt, %add3A_82, %lt3A_84 : vector<1024x512xi32>
      %jit3A = arith.constant 0.000000e+00 : f32
      %broadcast_in_dim3A_86 = vector.broadcast %jit3A : f32 to vector<1024x512xf32>
      %select_n3A = arith.select %lt3A_85, %exp23A_76, %broadcast_in_dim3A_86 : vector<1024x512xi1>, vector<1024x512xf32>
      %reduce_sum3A_87 = arith.constant dense<0.000000e+00> : vector<1024xf32>
      %reduce_sum3A_88 = vector.multi_reduction <add>, %select_n3A, %reduce_sum3A_87 [1] : vector<1024x512xf32> to vector<1024xf32>
      %broadcast_in_dim3A_89 = vector.shape_cast %reduce_sum3A_88 : vector<1024xf32> to vector<1024x1xf32>
      %add3A_90 = arith.addf %add3A_73, %broadcast_in_dim3A_89 : vector<1024x1xf32>
      %get3A_91 = arith.constant 0 : index
      %get3A_92 = arith.constant 0 : index
      %get3A_93 = vector.load %arg6[%get3A_91, %get3A_92] : memref<1024x1xf32, #tpu.memory_space<vmem>>, vector<1024x1xf32>
      %add3A_94 = arith.addf %get3A_93, %add3A_90 : vector<1024x1xf32>
      %swap3A = arith.constant 0 : index
      %swap3A_95 = arith.constant 0 : index
      %swap3A_96 = vector.load %arg6[%swap3A, %swap3A_95] : memref<1024x1xf32, #tpu.memory_space<vmem>>, vector<1024x1xf32>
      tpu.vector_store %arg6[%swap3A, %swap3A_95], %add3A_94 {strides = array<i32>} : memref<1024x1xf32, #tpu.memory_space<vmem>>, vector<1024x1xf32>,
      %eq3A_97 = arith.constant 48 : i32
      %eq3A_98 = arith.cmpi eq, %arg0, %eq3A_97 : i32
      %convert_element_type3A_99 = arith.extui %eq3A_98 : i1 to i32
      %cond3A_100 = arith.constant 0 : i32
      %cond3A_101 = arith.cmpi ne, %convert_element_type3A_99, %cond3A_100 : i32
      scf.if %cond3A_101 {
        %log3A = math.log %add3A_94 : vector<1024x1xf32>
        %log3A_102 = arith.constant 2.000000e+00 : f32
        %log3A_103 = math.log %log3A_102 : f32
        %div3A = vector.broadcast %log3A_103 : f32 to vector<1024x1xf32>
        %div3A_104 = arith.divf %log3A, %div3A : vector<1024x1xf32>
        %add3A_105 = arith.addf %get3A_53, %div3A_104 : vector<1024x1xf32>
        %mul3A_106 = arith.constant 0.693147182 : f32
        %mul3A_107 = vector.broadcast %mul3A_106 : f32 to vector<1024x1xf32>
        %mul3A_108 = arith.mulf %add3A_105, %mul3A_107 : vector<1024x1xf32>
        %transpose3A = tpu.transpose %mul3A_108, [1, 0] : vector<1024x1xf32> -> vector<1x1024xf32>
        %swap3A_109 = arith.constant 0 : index
        %swap3A_110 = arith.constant 0 : index
        %swap3A_111 = vector.load %arg7[%swap3A_109, %swap3A_110] : memref<1x1024xf32, #tpu.memory_space<vmem>>, vector<1x1024xf32>
        tpu.vector_store %arg7[%swap3A_109, %swap3A_110], %transpose3A {strides = array<i32>} : memref<1x1024xf32, #tpu.memory_space<vmem>>, vector<1x1024xf32>,
      } else {
      }
    } else {
    }
    %ge3A = arith.constant 49 : i32
    %ge3A_2 = arith.cmpi sge, %arg0, %ge3A : i32
    %convert_element_type3A_3 = arith.extui %ge3A_2 : i1 to i32
    %cond3A_4 = arith.constant 0 : i32
    %cond3A_5 = arith.cmpi ne, %convert_element_type3A_3, %cond3A_4 : i32
    scf.if %cond3A_5 {
      %get3A = arith.constant 0 : index
      %get3A_6 = arith.constant 0 : index
      %get3A_7 = vector.load %arg2[%get3A, %get3A_6] : memref<32x2048xf32, #tpu.memory_space<vmem>>, vector<32x2048xf32>
      %get3A_8 = arith.constant 0 : index
      %get3A_9 = arith.constant 0 : index
      %get3A_10 = vector.load %arg1[%get3A_8, %get3A_9] : memref<1024x32xf32, #tpu.memory_space<vmem>>, vector<1024x32xf32>
      %dot_general3A = arith.constant dense<0.000000e+00> : vector<2048x1024xf32>
      %dot_general3A_11 = tpu.matmul %get3A_7, %get3A_10, %dot_general3A {dimension_numbers = #tpu.dot_dimension_numbers<[0], [1], [1], [0], [0, 1, 1, 0], [], []>, transpose_lhs_hint = false} : vector<32x2048xf32>, vector<1024x32xf32>, vector<2048x1024xf32> -> vector<2048x1024xf32>
      %get3A_12 = arith.constant 0 : index
      %get3A_13 = vector.load %arg3[%get3A_12] : memref<2048xf32, #tpu.memory_space<vmem>>, vector<2048xf32>
      %broadcast_in_dim3A = vector.shape_cast %get3A_13 : vector<2048xf32> to vector<2048x1xf32>
      %add3A = vector.broadcast %broadcast_in_dim3A : vector<2048x1xf32> to vector<2048x1024xf32>
      %add3A_14 = arith.addf %dot_general3A_11, %add3A : vector<2048x1024xf32>
      %get3A_15 = arith.constant 0 : index
      %get3A_16 = arith.constant 0 : index
      %get3A_17 = vector.load %arg7[%get3A_15, %get3A_16] : memref<1x1024xf32, #tpu.memory_space<vmem>>, vector<1x1024xf32>
      %sub3A = vector.broadcast %get3A_17 : vector<1x1024xf32> to vector<2048x1024xf32>
      %sub3A_18 = arith.subf %add3A_14, %sub3A : vector<2048x1024xf32>
      %swap3A = arith.constant 0 : index
      %swap3A_19 = arith.constant 0 : index
      %swap3A_20 = vector.load %arg4[%swap3A, %swap3A_19] : memref<2048x1024xf32, #tpu.memory_space<vmem>>, vector<2048x1024xf32>
      tpu.vector_store %arg4[%swap3A, %swap3A_19], %sub3A_18 {strides = array<i32>} : memref<2048x1024xf32, #tpu.memory_space<vmem>>, vector<2048x1024xf32>,
    } else {
    }
    return
  }
  func.func @transform_0(%arg0: i32) -> (i32, i32) {
    %c0_i32 = arith.constant 0 : i32
    %c0_i32_0 = arith.constant 0 : i32
    %c0_i32_1 = arith.constant 0 : i32
    return %c0_i32, %c0_i32_0 : i32, i32
  }
  func.func @transform_1(%arg0: i32) -> (i32, i32) {
    %rem3A = arith.constant 49 : i32
    %rem3A_0 = arith.remsi %arg0, %rem3A : i32
    %c0_i32 = arith.constant 0 : i32
    %c0_i32_1 = arith.constant 0 : i32
    return %c0_i32, %rem3A_0 : i32, i32
  }
  func.func @transform_2(%arg0: i32) -> i32 {
    %rem3A = arith.constant 49 : i32
    %rem3A_0 = arith.remsi %arg0, %rem3A : i32
    %c0_i32 = arith.constant 0 : i32
    return %rem3A_0 : i32
  }
  func.func @transform_3(%arg0: i32) -> (i32, i32) {
    %sub3A = arith.constant 49 : i32
    %sub3A_0 = arith.subi %arg0, %sub3A : i32
    %max3A = arith.constant 0 : i32
    %max3A_1 = arith.maxsi %sub3A_0, %max3A : i32
    %c0_i32 = arith.constant 0 : i32
    %c0_i32_2 = arith.constant 0 : i32
    return %max3A_1, %c0_i32 : i32, i32
  }
}

</mosaic_0001>

<sc_bundles>
// kernel: kernel.4.cloned.1.call-start
scs
__scs_entry_jumppad:
0x0: {  	(pc) =	sbr.rel $0x88, $3  }
0x1: {  	(tag) =	ssettag $0x0;
	lr =	simm.s32 $0x1  }
0x2: {  	[smem:$0x3F9D] =	sst lr;
	_ =	strace $0xD0000000  }
0x3: {  	_ = 	snop  }
0x4: {  	_ = 	snop  }
0x5: {  	_ = 	snop  }
0x6: {  	_ = 	snop  }
0x7: {  	_ = 	snop  }
__scs_overlays_trampoline_lowered:
0x8: {  	[smem:$0x3FAC] =	sst s0  }
0x9: {  	[smem:$0x3FAD] =	sst s1  }
0xa: {  	[smem:$0x3FAE] =	sst s2  }
0xb: {  	[smem:$0x3FAF] =	sst s3  }
0xc: {  	[smem:$0x3FB0] =	sst s4  }
0xd: {  	[smem:$0x3FB1] =	sst s5  }
0xe: {  	[smem:$0x3FB2] =	sst s6  }
0xf: {  	[smem:$0x3FB3] =	sst s7  }
0x10: {  	[smem:$0x3FB4] =	sst s8  }
0x11: {  	[smem:$0x3FB5] =	sst s9;
	s0 =	simm.s32 @!p0 $0x0  }
0x12: {  	s1 =	sld [smem:$0x3F9B];
	s0 =	simm.s32 @p0 $0x1  }
0x13: {  	[smem:$0x3FB6] =	sst s0;
	s0 =	simm.s32 @!p1 $0x0  }
0x14: {  	s2 =	sld [smem:$0x3F9A];
	s0 =	simm.s32 @p1 $0x1  }
0x15: {  	[smem:$0x3FB7] =	sst s0;
	s0 =	simm.s32 @!p2 $0x0  }
0x16: {  	s3 =	sld [smem:$0x3FDB];
	s0 =	simm.s32 @p2 $0x1  }
0x17: {  	s4 =	simm.s32 $0x1BF5;
	[smem:$0x3FB9] =	sst s0  }
0x18: {  	s0 =	sld [smem:$0x3F9C];
	_ =	swait.ge [sflag:s4], $0x0  }
0x19: {  	s7 =	sld [smem:$0x3F9D]  }
0x1a: {  	s8 =	sadd.s32 $0xFFFFE003, lr  }
0x1b: {  	s9 =	sadd.s32 $0xFFFFFEF7, lr;
	s5 =	simm.s32 $0xFFFFFFFF;
	p2 =	slt.u32 s8, $0xFFFFF086  }
0x1c: {  	p1 =	slt.u32 s9, $0xF7A;
	s5 =	simm.s32 @!p2 $0x0  }
0x1d: {  	s5 =	simm.s32 @p1 $0x1;
	p0 =	seq.s32 s7, s2  }
0x1e: {  	s7 =	smul.u32 @!p0 $0xF7A, s2;
	p2 =	seq.s32 @!p0 s5, $0x0  }
0x1f: {  	s9 =	smul.u32 $0xF7A, s1;
	s8 =	simm.s32 @!p0 $0x1BF5;
	p2 =	por !p2, p0  }
0x20: {  	[sflag:s8] =	ssyncset.s32 @!p0 $0xFFFFF086;
	s6 =	sadd.s32 @!p0 s3, s7;
	s7 =	simm.s32 @!p0 $0x108  }
0x21: {  	s3 =	sadd.s32 s3, s9;
	s6 =	sadd.s32 @!p0 $0x88, s6;
	s7 =	simm.s32 @p2 $0x1082  }
0x22: {  	[simem:s7], [sflag:s8] =	dma.local @!p0 [hbm:s6], $0xF7A  }
0x23: {  	s9 =	sor.u32 $0xD0000000, s2;
	s6 =	simm.s32 $0x108;
	_ =	swait.ge @!p0 [sflag:s8], $0x0  }
0x24: {  	s3 =	sadd.s32 $0x88, s3;
	s6 =	simm.s32 @!p1 $0x1082;
	[sflag:s4] =	ssyncset.s32 $0xFFFFF086  }
0x25: {  	[simem:s6], [sflag:s4] =	dma.local [hbm:s3], $0xF7A  }
0x26: {  	[smem:$0x3F9D] =	sst s1;
	(tag) =	ssettag s2;
	_ =	strace s9  }
0x27: {  	s1 =	sld [smem:$0x3FAD]  }
0x28: {  	s2 =	sld [smem:$0x3FAE]  }
0x29: {  	s4 =	sld [smem:$0x3FB0]  }
0x2a: {  	p0 =	seq.s32 s5, $0x0;
	s5 =	sld [smem:$0x3FB1]  }
0x2b: {  	s6 =	sld [smem:$0x3FB2]  }
0x2c: {  	s7 =	sld [smem:$0x3FB3]  }
0x2d: {  	s3 =	simm.s32 $0x108;
	s8 =	sld [smem:$0x3FB4]  }
0x2e: {  	s3 =	simm.s32 @!p0 $0x1082;
	s9 =	sld [smem:$0x3FB5]  }
0x2f: {  	lr =	sadd.s32 s0, s3;
	s0 =	sld [smem:$0x3FAC]  }
0x30: {  	s3 =	sld [smem:$0x3FAF]  }
0x31: {  	[smem:$0x3FB8] =	sst s10  }
0x32: {  	s10 =	sld [smem:$0x3FB6];
	_ =	sdelay $0x3  }
0x33: {  	p0 =	seq.s32 s10, $0x1;
	s10 =	sld [smem:$0x3FB8];
	_ =	sdelay $0x3  }
0x34: {  	[smem:$0x3FB8] =	sst s10  }
0x35: {  	s10 =	sld [smem:$0x3FB7];
	_ =	sdelay $0x3  }
0x36: {  	p1 =	seq.s32 s10, $0x1;
	s10 =	sld [smem:$0x3FB8];
	_ =	sdelay $0x3  }
0x37: {  	[smem:$0x3FB8] =	sst s10  }
0x38: {  	s10 =	sld [smem:$0x3FB9]  }
0x39: {  	_ = 	snop;
	(pc) =	sbr.ind lr, $3  }
0x3a: {  	_ = 	snop  }
0x3b: {  	_ = 	snop  }
0x3c: {  	p2 =	seq.s32 s10, $0x1;
	s10 =	sld [smem:$0x3FB8]  }
0x3d: {  	_ =	shalt  }
0x3e: {  	_ =	shalt  }
0x3f: {  	_ =	shalt  }
0x40: {  	_ =	shalt  }
0x41: {  	_ =	shalt  }
0x42: {  	_ =	shalt  }
0x43: {  	_ =	shalt  }
0x44: {  	_ =	shalt  }
0x45: {  	_ =	shalt  }
0x46: {  	_ =	shalt  }
0x47: {  	_ =	shalt  }
0x48: {  	_ =	shalt  }
0x49: {  	_ =	shalt  }
0x4a: {  	_ =	shalt  }
0x4b: {  	_ =	shalt  }
0x4c: {  	_ =	shalt  }
0x4d: {  	_ =	shalt  }
0x4e: {  	_ =	shalt  }
0x4f: {  	_ =	shalt  }
0x50: {  	_ =	shalt  }
0x51: {  	_ =	shalt  }
0x52: {  	_ =	shalt  }
0x53: {  	_ =	shalt  }
0x54: {  	_ =	shalt  }
0x55: {  	_ =	shalt  }
0x56: {  	_ =	shalt  }
0x57: {  	_ =	shalt  }
0x58: {  	_ =	shalt  }
0x59: {  	_ =	shalt  }
0x5a: {  	_ =	shalt  }
0x5b: {  	_ =	shalt  }
0x5c: {  	_ =	shalt  }
0x5d: {  	_ =	shalt  }
0x5e: {  	_ =	shalt  }
0x5f: {  	_ =	shalt  }
0x60: {  	_ =	shalt  }
0x61: {  	_ =	shalt  }
0x62: {  	_ =	shalt  }
0x63: {  	_ =	shalt  }
0x64: {  	_ =	shalt  }
0x65: {  	_ =	shalt  }
0x66: {  	_ =	shalt  }
0x67: {  	_ =	shalt  }
0x68: {  	_ =	shalt  }
0x69: {  	_ =	shalt  }
0x6a: {  	_ =	shalt  }
0x6b: {  	_ =	shalt  }
0x6c: {  	_ =	shalt  }
0x6d: {  	_ =	shalt  }
0x6e: {  	_ =	shalt  }
0x6f: {  	_ =	shalt  }
0x70: {  	_ =	shalt  }
0x71: {  	_ =	shalt  }
0x72: {  	_ =	shalt  }
0x73: {  	_ =	shalt  }
0x74: {  	_ =	shalt  }
0x75: {  	_ =	shalt  }
0x76: {  	_ =	shalt  }
0x77: {  	_ =	shalt  }
0x78: {  	_ =	shalt  }
0x79: {  	_ =	shalt  }
0x7a: {  	_ =	shalt  }
0x7b: {  	_ =	shalt  }
0x7c: {  	_ =	shalt  }
0x7d: {  	_ =	shalt  }
0x7e: {  	_ =	shalt  }
0x7f: {  	_ =	shalt  }
0x80: {  	_ =	shalt  }
0x81: {  	_ =	shalt  }
0x82: {  	_ =	shalt  }
0x83: {  	_ =	shalt  }
0x84: {  	_ =	shalt  }
0x85: {  	_ =	shalt  }
0x86: {  	_ =	shalt  }
0x87: {  	_ =	shalt  }
.Lfunc_end0:
.L_simem_size_0:
called_computation_lowered:
.L_overlay_start_0:
0x88: {  	s2 =	sld [smem:$0x3FD9]  }
0x89: {  	s3 =	sld [smem:$0x3FFE];
	_ =	sdelay $0x1  }
0x8a: {  	s1 =	srdreg.scid  }
0x8b: {  	s0 =	sand.u32 $0x1, s1  }
0x8c: {  	s17 =	sshll.u32 s0, $0xA;
	s2 =	sadd.s32 s3, s2  }
0x8d: {  	s2 =	sadd.s32 s2, s17  }
0x8e: {  	[smem:$0x3FC4] =	sst s2  }
0x8f: {  	_ = 	snop  }
0x90: {  	s2 =	sld [smem:$0x3FD0];
	(tm) =	ssettm $0x1  }
0x91: {  	s18 =	sld [smem:$0x3FFB];
	_ =	sdelay $0x3  }
0x92: {  	_ =	strace s18  }
0x93: {  	s3 =	sld [smem:$0x3FFC];
	_ =	sdelay $0x3  }
0x94: {  	_ =	strace s3  }
0x95: {  	s3 =	sld [smem:$0x3FFD];
	_ =	sdelay $0x3  }
0x96: {  	_ =	strace s3  }
0x97: {  	_ =	strace $0x8FFFFFFF  }
0x98: {  	s19 =	sld [smem:$0x3FDB];
	_ =	sdelay $0x1  }
0x99: {  	s4 =	simm.s32 $_scs_section_size  }
0x9a: {  	s5 =	simm.s32 $_size__tile_overlayer_lowered;
	s6 =	simm.s32 $_tile_overlayer_lowered  }
0x9b: {  	s22 =	simm.s32 $0x1BFF;
	s21 =	sshll.u32 s6, $0x1;
	s3 =	sadd.s32 s4, s19  }
0x9c: {  	s7 =	simm.s32 $0x0;
	s20 =	sshll.u32 s5, $0x1;
	s5 =	sadd.s32 s21, s3  }
0x9d: {  	[timem:s7], [sflag:s22] =	dma.local [hbm:s5], s20  }
0x9e: {  	_ =	swait.ge [sflag:s22], s20  }
0x9f: {  	s4 =	ssub.s32 $0x0, s20;
	[sflag:s22] =	ssyncset.done $0x0  }
0xa0: {  	[sflag:s22] =	ssyncadd.s32 s4;
	_ =	sdelay $0x1  }
0xa1: {  	s23 =	simm.s32 $0x1B8B  }
0xa2: {  	_ =	swait.ge [sflag:s23], $0x1  }
0xa3: {  	[sflag:s23] =	ssyncset.done $0x0  }
0xa4: {  	s25 =	simm.s32 $0x1B8E;
	s24 =	sld [smem:$0x3FFE];
	[sflag:s23] =	ssyncadd.s32 $0xFFFFFFFF  }
0xa5: {  	s26 =	simm.s32 $execute0_lowered;
	[smem:$0x3FD2] =	sst s25  }
0xa6: {  	s5 =	sshll.u32 s26, $0x1;
	_ =	strace $0x80000046;
	[dreg:$0x1] =	wrdreg $0xFFFFFFFF  }
0xa7: {  	s28 =	simm.s32 $_size_execute0_lowered;
	s3 =	sadd.s32 s3, s5;
	[dreg:$0x0] =	wrdreg $0x0  }
0xa8: {  	s5 =	sshll.u32 s28, $0x1;
	[dreg:$0x2] =	wrdreg s3  }
0xa9: {  	[dreg:$0x3] =	wrdreg s5  }
0xaa: {  	[dreg:$0x4] =	wrdreg $0xC0  }
0xab: {  	_ =	task [dreg:s7], $0x5FFFF  }
0xac: {  	[dreg:$0x1] =	wrdreg $0xFFFFFFFF  }
0xad: {  	[dreg:$0x0] =	wrdreg $0x60  }
0xae: {  	[dreg:$0x2] =	wrdreg s24  }
0xaf: {  	[dreg:$0x3] =	wrdreg s2  }
0xb0: {  	[dreg:$0x4] =	wrdreg $0x9  }
0xb1: {  	_ =	task.clear_ibuf [dreg:s7], $0x5FFFF;
	_ =	strace $0x90000046  }
0xb2: {  	s29 =	simm.s32 $0x9;
	_ =	strace $0x80000048  }
0xb3: {  	_ =	swait.ge [sflag:s29], $0x1  }
0xb4: {  	[sflag:s29] =	ssyncadd.s32 $0xFFFFFFFF  }
0xb5: {  	_ =	strace $0x90000048  }
0xb6: {  	_ =	sfence  }
0xb7: {  	s30 =	sld [smem:$0x0];
	_ =	sdelay $0x2  }
0xb8: {  	s31 =	sshll.u32 s1, $0xD;
	s1 =	sshrl.u32 s1, $0x2  }
0xb9: {  	s3 =	sand.u32 $0x4000, s31;
	s1 =	sadd.s32 s1, s30  }
0xba: {  	s0 =	sor.u32 s3, s0;
	s1 =	sshll.u32 s1, $0x11  }
0xbb: {  	s0 =	sor.u32 s1, s0  }
0xbc: {  	s0 =	sadd.s32 $0x8F2B, s0  }
0xbd: {  	[sflag:s0] =	ssyncadd.remote.s32 $0x1  }
0xbe: {  	_ =	sfence.sel $0xFFFF  }
0xbf: {  	[dreg:$0x0] =	wrdreg $0xFFFFFFFF;
	(pc) =	sbr.abs _section_cstart, $3  }
0xc0: {  	[dreg:$0x1] =	wrdreg $0xFFFFFFFF  }
0xc1: {  	_ =	task.clear_ibuf [dreg:s7], $0x2FFFF;
	_ =	strace $0x9FFFFFFF  }
0xc2: {  	(tm) =	ssettm $0x7FFFFFFF  }
0xc3: {  	_ =	shalt  }
tec
execute0_lowered:
.L_overlay_start_1:
0x0: {  	(tag) =	ssettag $0x1  }
0x1: {  	s4 =	rddreg [dreg:$0x0];
	s1 =	srdreg.scid  }
0x2: {  	s0 =	stileid.u32;
	s5 =	rddreg [dreg:$0x1]  }
0x3: {  	s2 =	simm.s32 $0x0;
	s9 =	simm.s32 $0x280;
	s10 =	simm.s32 $0x1280  }
0x4: {  	s11 =	simm.s32 $0x100;
	s12 =	simm.s32 $0x2280;
	s13 =	simm.s32 $0x180  }
0x5: {  	s14 =	simm.s32 $0x3280;
	s15 =	simm.s32 $0x200;
	s16 =	simm.s32 $0x4280  }
0x6: {  	s17 =	simm.s32 $0x1;
	s18 =	simm.s32 $0x5280;
	s19 =	simm.s32 $0x0  }
0x7: {  	s3 =	sand.u32 $0x1, s1;
	s6 =	sshll.u32 s0, $0x1;
	[smem:$0x7FF] =	sst s2  }
0x8: {  	s1 =	rddreg [dreg:$0x2];
	s6 =	sor.u32 s3, s6;
	_ =	strace $0x80000047  }
0x9: {  	s8 =	ssub.s32 $0x2, s3;
	s7 =	smul.u32 $0x50, s6;
	s6 =	sshll.u32 s6, $0x7  }
0xa: {  	s3 =	sadd.s32 $0x2000, s4;
	s31 =	sshrl.u32 s8, $0x1;
	s5 =	sadd.s32 s5, s6  }
0xb: {  	s4 =	sadd.s32 s7, s4;
	s7 =	ssub.s32 s8, s31;
	s8 =	simm.s32 $0x80  }
0xc: {  	s4 =	sadd.s32 $0x1600, s4;
	s6 =	smax.u32 s7, $0x1;
	s7 =	simm.s32 $0x2  }
.LBB2_1:
0xd: {  	[tilespmem:s2], [sflag:$0x2] =	stream.linear.gather [hbm4b:s4+s2], $0x280, $0x38;
	[tilespmem:$0x5680] =	vst v63  }
0xe: {  	_ =	swait.ge [sflag:s7], $0x280  }
0xf: {  	[sflag:s7] =	ssyncset.done $0x0  }
0x10: {  	[sflag:s7] =	ssyncadd.s32 $0xFFFFFD80  }
0x11: {  	[tilespmem:s9], [sflag:$0x1] =	stream.indirect.gather [hbm4b:s3+s8], $0x20, s2, s8, $0xb8;
	[tilespmem:$0x5680] =	vst v63  }
0x12: {  	_ = 	snop  }
0x13: {  	[tilespmem:s10], [sflag:$0x1] =	stream.indirect.gather [hbm4b:s3+s8], $0x20, s8, s8, $0xb8;
	[tilespmem:$0x5680] =	vst v63  }
0x14: {  	_ = 	snop  }
0x15: {  	[tilespmem:s12], [sflag:$0x1] =	stream.indirect.gather [hbm4b:s3+s8], $0x20, s11, s8, $0xb8;
	[tilespmem:$0x5680] =	vst v63  }
0x16: {  	_ = 	snop  }
0x17: {  	[tilespmem:s14], [sflag:$0x1] =	stream.indirect.gather [hbm4b:s3+s8], $0x20, s13, s8, $0xb8;
	[tilespmem:$0x5680] =	vst v63  }
0x18: {  	_ = 	snop  }
0x19: {  	[tilespmem:s16], [sflag:$0x1] =	stream.indirect.gather [hbm4b:s3+s8], $0x20, s15, s8, $0xb8;
	[tilespmem:$0x5680] =	vst v63  }
0x1a: {  	_ =	swait.ge [sflag:s17], $0x1000  }
0x1b: {  	[sflag:s17] =	ssyncset.done $0x0  }
0x1c: {  	[sflag:s17] =	ssyncadd.s32 $0xFFFFF000  }
0x1d: {  	_ =	swait.ge [sflag:s17], $0x1000  }
0x1e: {  	[sflag:s17] =	ssyncset.done $0x0  }
0x1f: {  	[sflag:s17] =	ssyncadd.s32 $0xFFFFF000  }
0x20: {  	_ =	swait.ge [sflag:s17], $0x1000  }
0x21: {  	[sflag:s17] =	ssyncset.done $0x0  }
0x22: {  	[sflag:s17] =	ssyncadd.s32 $0xFFFFF000  }
0x23: {  	_ =	swait.ge [sflag:s17], $0x1000  }
0x24: {  	[sflag:s17] =	ssyncset.done $0x0  }
0x25: {  	[sflag:s17] =	ssyncadd.s32 $0xFFFFF000  }
0x26: {  	_ =	swait.ge [sflag:s17], $0x1000  }
0x27: {  	[sflag:s17] =	ssyncset.done $0x0  }
0x28: {  	s20 =	simm.s32 $0x3C0;
	[sflag:s17] =	ssyncadd.s32 $0xFFFFF000  }
0x29: {  	v0 =	vld [tilespmem:s20+$0xFFFFFEF0]  }
0x2a: {  	v1 =	vld [tilespmem:s20+$0xFFFFFEC0]  }
0x2b: {  	v2 =	vld [tilespmem:s20+$0xFFFFFEE0]  }
0x2c: {  	v3 =	vld [tilespmem:s20+$0xFFFFFED0]  }
0x2d: {  	v4 =	vld [tilespmem:s20+$0xFFFFFF00]  }
0x2e: {  	v5 =	vld [tilespmem:s20+$0xFFFFFF10]  }
0x2f: {  	v6 =	vld [tilespmem:s20+$0xFFFFFF20]  }
0x30: {  	v7 =	vld [tilespmem:s20+$0xFFFFFF40];
	v1 =	vadd.f32 v2, v1  }
0x31: {  	v2 =	vld [tilespmem:s20+$0xFFFFFF30]  }
0x32: {  	v44 =	vld [tilespmem:s20+$0xFFFFFF60];
	v0 =	vadd.f32 v0, v3;
	v1 =	vadd.f32 v4, v1  }
0x33: {  	v3 =	vld [tilespmem:s20+$0xFFFFFF50]  }
0x34: {  	v45 =	vld [tilespmem:s20+$0xFFFFFF70];
	v0 =	vadd.f32 v5, v0;
	v1 =	vadd.f32 v6, v1  }
0x35: {  	v46 =	vld [tilespmem:s20+$0xFFFFFF80]  }
0x36: {  	v47 =	vld [tilespmem:s20+$0xFFFFFFA0];
	v0 =	vadd.f32 v2, v0;
	v1 =	vadd.f32 v7, v1  }
0x37: {  	v2 =	vld [tilespmem:s20+$0xFFFFFF90]  }
0x38: {  	v48 =	vld [tilespmem:s20+$0xFFFFFFC0];
	v0 =	vadd.f32 v3, v0;
	v1 =	vadd.f32 v44, v1  }
0x39: {  	v3 =	vld [tilespmem:s20+$0xFFFFFFB0]  }
0x3a: {  	v49 =	vld [tilespmem:s20+$0xFFFFFFD0];
	v0 =	vadd.f32 v45, v0;
	v1 =	vadd.f32 v46, v1  }
0x3b: {  	v50 =	vld [tilespmem:s20+$0xFFFFFFE0]  }
0x3c: {  	v51 =	vld [tilespmem:s20+$0x0];
	v0 =	vadd.f32 v2, v0;
	v1 =	vadd.f32 v47, v1  }
0x3d: {  	v2 =	vld [tilespmem:s20+$0xFFFFFFF0]  }
0x3e: {  	v52 =	vld [tilespmem:s20+$0x20];
	v0 =	vadd.f32 v3, v0;
	v1 =	vadd.f32 v48, v1  }
0x3f: {  	v3 =	vld [tilespmem:s20+$0x10]  }
0x40: {  	v53 =	vld [tilespmem:s20+$0x30];
	v0 =	vadd.f32 v49, v0;
	v1 =	vadd.f32 v50, v1  }
0x41: {  	v54 =	vld [tilespmem:s20+$0x40]  }
0x42: {  	v55 =	vld [tilespmem:s20+$0x60];
	v0 =	vadd.f32 v2, v0;
	v1 =	vadd.f32 v51, v1  }
0x43: {  	v2 =	vld [tilespmem:s20+$0x50]  }
0x44: {  	v56 =	vld [tilespmem:s20+$0x80];
	v0 =	vadd.f32 v3, v0;
	v1 =	vadd.f32 v52, v1  }
0x45: {  	v3 =	vld [tilespmem:s20+$0x70]  }
0x46: {  	v57 =	vld [tilespmem:s20+$0x90];
	v0 =	vadd.f32 v53, v0;
	v1 =	vadd.f32 v54, v1  }
0x47: {  	v58 =	vld [tilespmem:s20+$0xA0]  }
0x48: {  	v59 =	vld [tilespmem:s20+$0xC0];
	v0 =	vadd.f32 v2, v0;
	v1 =	vadd.f32 v55, v1  }
0x49: {  	v2 =	vld [tilespmem:s20+$0xB0]  }
0x4a: {  	v60 =	vld [tilespmem:s20+$0xE0];
	v0 =	vadd.f32 v3, v0;
	v1 =	vadd.f32 v56, v1  }
0x4b: {  	v3 =	vld [tilespmem:s20+$0xD0]  }
0x4c: {  	v61 =	vld [tilespmem:s20+$0xF0];
	v0 =	vadd.f32 v57, v0;
	v1 =	vadd.f32 v58, v1  }
0x4d: {  	v62 =	vld [tilespmem:s20+$0x100]  }
0x4e: {  	v63 =	vld [tilespmem:s20+$0x120];
	v0 =	vadd.f32 v2, v0;
	v1 =	vadd.f32 v59, v1  }
0x4f: {  	v2 =	vld [tilespmem:s20+$0x110]  }
0x50: {  	v0 =	vadd.f32 v3, v0;
	v1 =	vadd.f32 v60, v1  }
0x51: {  	v3 =	vld [tilespmem:s20+$0x130]  }
0x52: {  	v0 =	vadd.f32 v61, v0;
	v1 =	vadd.f32 v62, v1;
	_ =	sdelay $0x1  }
0x53: {  	v0 =	vadd.f32 v2, v0;
	v1 =	vadd.f32 v63, v1  }
0x54: {  	s22 =	simm.s32 $0x0  }
0x55: {  	s21 =	simm.s32 $0x80;
	v0 =	vadd.f32 v3, v0;
	[tilespmem:s22+$0x5280] =	vst v1  }
.LBB2_2:
0x56: {  	p0 =	sne.s32 s21, $0xF80  }
0x57: {  	[tilespmem:s22+$0x5290] =	vst v0;
	s20 =	sadd.s32 $0x280, s20;
	s22 =	smov.u32 s21;
	s21 =	sadd.s32 $0x80, s21  }
0x58: {  	v0 =	vld [tilespmem:s20+$0xFFFFFEF0]  }
0x59: {  	v1 =	vld [tilespmem:s20+$0xFFFFFEC0]  }
0x5a: {  	v2 =	vld [tilespmem:s20+$0xFFFFFEE0]  }
0x5b: {  	v3 =	vld [tilespmem:s20+$0xFFFFFED0]  }
0x5c: {  	v4 =	vld [tilespmem:s20+$0xFFFFFF00]  }
0x5d: {  	v5 =	vld [tilespmem:s20+$0xFFFFFF10]  }
0x5e: {  	v6 =	vld [tilespmem:s20+$0xFFFFFF20]  }
0x5f: {  	v1 =	vadd.f32 v2, v1;
	v2 =	vld [tilespmem:s20+$0xFFFFFF30]  }
0x60: {  	v0 =	vadd.f32 v0, v3;
	v3 =	vld [tilespmem:s20+$0xFFFFFF40]  }
0x61: {  	v1 =	vadd.f32 v4, v1;
	v4 =	vld [tilespmem:s20+$0xFFFFFF50]  }
0x62: {  	v0 =	vadd.f32 v5, v0;
	v5 =	vld [tilespmem:s20+$0xFFFFFF60]  }
0x63: {  	v1 =	vadd.f32 v6, v1;
	v6 =	vld [tilespmem:s20+$0xFFFFFF70]  }
0x64: {  	v0 =	vadd.f32 v2, v0;
	v2 =	vld [tilespmem:s20+$0xFFFFFF80]  }
0x65: {  	v1 =	vadd.f32 v3, v1;
	v3 =	vld [tilespmem:s20+$0xFFFFFF90]  }
0x66: {  	v0 =	vadd.f32 v4, v0;
	v4 =	vld [tilespmem:s20+$0xFFFFFFA0]  }
0x67: {  	v1 =	vadd.f32 v5, v1;
	v5 =	vld [tilespmem:s20+$0xFFFFFFB0]  }
0x68: {  	v0 =	vadd.f32 v6, v0;
	v6 =	vld [tilespmem:s20+$0xFFFFFFC0]  }
0x69: {  	v1 =	vadd.f32 v2, v1;
	v2 =	vld [tilespmem:s20+$0xFFFFFFD0]  }
0x6a: {  	v0 =	vadd.f32 v3, v0;
	v3 =	vld [tilespmem:s20+$0xFFFFFFE0]  }
0x6b: {  	v1 =	vadd.f32 v4, v1;
	v4 =	vld [tilespmem:s20+$0xFFFFFFF0]  }
0x6c: {  	v0 =	vadd.f32 v5, v0;
	v5 =	vld [tilespmem:s20+$0x0]  }
0x6d: {  	v1 =	vadd.f32 v6, v1;
	v6 =	vld [tilespmem:s20+$0x10]  }
0x6e: {  	v0 =	vadd.f32 v2, v0;
	v2 =	vld [tilespmem:s20+$0x20]  }
0x6f: {  	v1 =	vadd.f32 v3, v1;
	v3 =	vld [tilespmem:s20+$0x30]  }
0x70: {  	v0 =	vadd.f32 v4, v0;
	v4 =	vld [tilespmem:s20+$0x40]  }
0x71: {  	v1 =	vadd.f32 v5, v1;
	v5 =	vld [tilespmem:s20+$0x50]  }
0x72: {  	v0 =	vadd.f32 v6, v0;
	v6 =	vld [tilespmem:s20+$0x60]  }
0x73: {  	v1 =	vadd.f32 v2, v1;
	v2 =	vld [tilespmem:s20+$0x70]  }
0x74: {  	v0 =	vadd.f32 v3, v0;
	v3 =	vld [tilespmem:s20+$0x80]  }
0x75: {  	v1 =	vadd.f32 v4, v1;
	v4 =	vld [tilespmem:s20+$0x90]  }
0x76: {  	v0 =	vadd.f32 v5, v0;
	v5 =	vld [tilespmem:s20+$0xA0]  }
0x77: {  	v1 =	vadd.f32 v6, v1;
	v6 =	vld [tilespmem:s20+$0xB0]  }
0x78: {  	v0 =	vadd.f32 v2, v0;
	v2 =	vld [tilespmem:s20+$0xC0]  }
0x79: {  	v1 =	vadd.f32 v3, v1;
	v3 =	vld [tilespmem:s20+$0xD0]  }
0x7a: {  	v0 =	vadd.f32 v4, v0;
	v4 =	vld [tilespmem:s20+$0xE0]  }
0x7b: {  	v1 =	vadd.f32 v5, v1;
	v5 =	vld [tilespmem:s20+$0xF0]  }
0x7c: {  	v0 =	vadd.f32 v6, v0;
	v6 =	vld [tilespmem:s20+$0x100]  }
0x7d: {  	v1 =	vadd.f32 v2, v1;
	v2 =	vld [tilespmem:s20+$0x110]  }
0x7e: {  	v0 =	vadd.f32 v3, v0;
	v3 =	vld [tilespmem:s20+$0x120]  }
0x7f: {  	v1 =	vadd.f32 v4, v1;
	v4 =	vld [tilespmem:s20+$0x130]  }
0x80: {  	v0 =	vadd.f32 v5, v0  }
.Ltmp0:
0x81: {  	v1 =	vadd.f32 v6, v1;
	(pc) =	sbr.rel @p0 .LBB2_2-.Ltmp0, $4  }
0x82: {  	v0 =	vadd.f32 v2, v0  }
0x83: {  	v1 =	vadd.f32 v3, v1  }
0x84: {  	s22 =	sshra.s32 s22, $0x2;
	v0 =	vadd.f32 v4, v0  }
0x85: {  	[tilespmem:s22+$0x5280] =	vst v1  }
0x86: {  	s19 =	sadd.s32 $0x1, s19  }
0x87: {  	p0 =	sne.s32 s19, s6  }
.Ltmp1:
0x88: {  	[tilespmem:s22+$0x5290] =	vst v0;
	(pc) =	sbr.rel @p0 .LBB2_1-.Ltmp1, $4  }
0x89: {  	[hbm4b:s5+s2] =	stream.linear.scatter [tilespmem:s18], [sflag:$0x2], $0x400, $0x38;
	[tilespmem:$0x5680] =	vst v63  }
0x8a: {  	_ =	swait.ge [sflag:s7], $0x400  }
0x8b: {  	[sflag:s7] =	ssyncset.done $0x0  }
0x8c: {  	[sflag:s7] =	ssyncadd.s32 $0xFFFFFC00  }
0x8d: {  	_ =	sfence.sel $0x180000  }
0x8e: {  	[bflag:$0x0] =	sbarrier.arrive $0xFFFF  }
0x8f: {  	p0 =	sne.s32 s0, $0x0;
	_ =	strace $0x90000047  }
0x90: {  	s0 =	sadd.s32 @!p0 $0x100000, s1;
	[bflag:$0x2] =	sbarrier.arrive $0xFFFF  }
0x91: {  	[sflag:s0] =	ssyncadd.tile.s32 @!p0 $0x1;
	_ =	shalt  }
.Lfunc_end2:
_tile_overlayer_lowered:
.L_overlay_start_2:
0x92: {  	(tag) =	ssettag $0x2  }
0x93: {  	s0 =	rddreg [dreg:$0x0];
	s2 =	stileid.u32  }
0x94: {  	s1 =	rddreg [dreg:$0x1];
	p0 =	sne.s32 s2, $0x0  }
0x95: {  	s3 =	rddreg [dreg:$0x2];
	[bflag:$0x3] =	sbarrier.arrive $0xFFFF;
	s2 =	simm.s32 @!p0 $0x1C02  }
0x96: {  	[timem:s3], [sflag:s2] =	dma.local @!p0 [hbm:s0], s1  }
0x97: {  	s0 =	simm.s32 @!p0 $0x2  }
0x98: {  	_ =	swait.ge @!p0 [sflag:s0], s1  }
0x99: {  	s1 =	ssub.s32 @!p0 $0x0, s1;
	[sflag:s0] =	ssyncset.done @!p0 $0x0  }
0x9a: {  	[sflag:s0] =	ssyncadd.s32 @!p0 s1  }
0x9b: {  	[bflag:$0x3] =	sbarrier.arrive $0xFFFF  }
0x9c: {  	_ =	shalt  }

</sc_bundles>
